<compile_context>
chip_gen: v7x
topology: tpu7x:2x2x1
jax: 0.10.2.dev20260603
libtpu: 0.0.44.dev20260713+nightly
codegen_flags: <defaults>
</compile_context>

<pallas_src>
import functools

import jax
import jax.numpy as jnp
from jax import lax
from jax.experimental import pallas as pl
from jax.experimental.pallas import tpu as pltpu
from jax.experimental.pallas import tpu_sc as plsc

_G = 128
_NC = 2
_NS = 16
_NW = _NC * _NS
_NBUF = 4


def _make_embed(n_groups: int, dim: int):
    gpw = n_groups // _NW
    assert (gpw - 4) % 4 == 0 and gpw >= 8
    mesh = plsc.VectorSubcoreMesh(core_axis_name="c", subcore_axis_name="s")

    @functools.partial(
        pl.kernel,
        mesh=mesh,
        out_type=jax.ShapeDtypeStruct((n_groups, _G, dim), jnp.float32),
        scratch_types=[
            pltpu.VMEM((gpw, _G), jnp.int32),
            pltpu.VMEM((_NBUF, _G, dim), jnp.float32),
        ]
        + [pltpu.SemaphoreType.DMA] * (2 * _NBUF),
    )
    def embed(idx_hbm, table_hbm, out_hbm, idx_v, rows_v, *sems):
        sems_g = sems[:_NBUF]
        sems_o = sems[_NBUF:]
        wid = lax.axis_index("s") * _NC + lax.axis_index("c")
        base_g = wid * gpw
        pltpu.sync_copy(idx_hbm.at[pl.ds(base_g, gpw)], idx_v)

        def fire(ci, b):
            pltpu.async_copy(table_hbm.at[idx_v.at[ci]], rows_v.at[b],
                             sems_g[b])

        def drain_g(b):
            pltpu.make_async_copy(out_hbm.at[0], rows_v.at[b],
                                  sems_g[b]).wait()

        def start_out(ci, b):
            pltpu.async_copy(rows_v.at[b], out_hbm.at[base_g + ci],
                             sems_o[b])

        def drain_o(b):
            pltpu.make_async_copy(rows_v.at[b], out_hbm.at[0],
                                  sems_o[b]).wait()

        fire(0, 0)
        fire(1, 1)
        fire(2, 2)
        drain_g(0)
        start_out(0, 0)
        fire(3, 3)
        drain_g(1)
        start_out(1, 1)

        def step(s, carry):
            for b in range(4):
                i = 2 + 4 * s + b
                bb = (2 + b) % 4
                drain_o(b)
                fire(i + 2, b)
                drain_g(bb)
                start_out(i, bb)
            return carry

        lax.fori_loop(0, (gpw - 4) // 4, step, 0)

        drain_o(0)
        drain_g(2)
        start_out(gpw - 2, 2)
        drain_o(1)
        drain_g(3)
        start_out(gpw - 1, 3)
        drain_o(2)
        drain_o(3)

    return embed


def kernel(hidden_state, weight):
    b, t = hidden_state.shape
    vocab, dim = weight.shape
    total = b * t
    n_groups = total // _G
    assert total % (_G * _NW) == 0
    idx = hidden_state.reshape(n_groups, _G).astype(jnp.int32)
    embed = _make_embed(n_groups, dim)
    out = embed(idx, weight)
    return out.reshape(b, t, dim)

# --- scband reference (transcript-rebuilt; emitter-appended) ---
"""Pipeline reference for scband-vocab-embedding-42494406427394 (READ-ONLY COPY).

The authoritative reference and input builder live on the scoring server;
editing this copy changes nothing except your own understanding.
"""

import jax, jax.numpy as jnp
import numpy as np

NUM_EMBEDDINGS = 100000
EMBEDDING_DIM = 128

def setup_inputs(seed: int = 0) -> dict:
    key = jax.random.key(seed)
    k1, k2 = jax.random.split(key)
    hidden_state = jax.random.randint(k1, (4096, 200), 0, NUM_EMBEDDINGS, dtype=jnp.int64 if jax.config.jax_enable_x64 else jnp.int32)
    # xavier_uniform init for weight [num_embeddings, embedding_dim]
    fan_in, fan_out = NUM_EMBEDDINGS, EMBEDDING_DIM
    limit = float(np.sqrt(6.0 / (fan_in + fan_out)))
    weight = jax.random.uniform(k2, (NUM_EMBEDDINGS, EMBEDDING_DIM), minval=-limit, maxval=limit, dtype=jnp.float32)
    return {"hidden_state": hidden_state, "weight": weight}

def reference(hidden_state, weight):
    # F.embedding(hidden_state, weight) with no padding/max_norm/sparse
    return jnp.take(weight, hidden_state, axis=0)

if __name__ == "__main__":
    import jax
    _d = setup_inputs()
    print(jax.jit(kernel)(*tuple(_d.values())))

</pallas_src>

<mosaic_0001>
#map = affine_map<(d0, d1) -> (0, 0)>
#map1 = affine_map<(d0, d1) -> (0, 0, 0)>
module attributes {stable_mosaic.version = 14 : i64} {
  func.func @embed(%arg0: i32, %arg1: i32, %arg2: memref<6400x128xi32, #tpu.memory_space<hbm>>, %arg3: memref<100000x128xf32, #tpu.memory_space<hbm>>, %arg4: memref<6400x128x128xf32, #tpu.memory_space<hbm>>, %arg5: memref<200x128xi32, #tpu.memory_space<vmem>>, %arg6: memref<4x128x128xf32, #tpu.memory_space<vmem>>, %arg7: memref<!tpu.dma_semaphore, #tpu.memory_space<semaphore_mem>>, %arg8: memref<!tpu.dma_semaphore, #tpu.memory_space<semaphore_mem>>, %arg9: memref<!tpu.dma_semaphore, #tpu.memory_space<semaphore_mem>>, %arg10: memref<!tpu.dma_semaphore, #tpu.memory_space<semaphore_mem>>, %arg11: memref<!tpu.dma_semaphore, #tpu.memory_space<semaphore_mem>>, %arg12: memref<!tpu.dma_semaphore, #tpu.memory_space<semaphore_mem>>, %arg13: memref<!tpu.dma_semaphore, #tpu.memory_space<semaphore_mem>>, %arg14: memref<!tpu.dma_semaphore, #tpu.memory_space<semaphore_mem>>) attributes {dimension_semantics = [#tpu.dimension_semantics<core_parallel>, #tpu.dimension_semantics<subcore_parallel>], iteration_bounds = array<i64: 2, 16>, scalar_prefetch = 0 : i64, scratch_operands = 10 : i64, tpu.core_type = #tpu.core_type<sc_vector_subcore>, window_params = [{transform_indices = #map}, {transform_indices = #map}, {transform_indices = #map1}]} {
    %mul3A = arith.constant 2 : i32
    %mul3A_0 = arith.muli %arg1, %mul3A : i32
    %add3A = arith.addi %mul3A_0, %arg0 : i32
    %mul3A_1 = arith.constant 200 : i32
    %mul3A_2 = arith.muli %add3A, %mul3A_1 : i32
    "tpu.region"() ({
      %run_scoped3A = tpu.sem_alloc : memref<!tpu.dma_semaphore, #tpu.memory_space<semaphore_mem>>
      %dma_start3A_274 = arith.constant 0 : i32
      %dma_start3A_275 = tpu.memref_slice %arg2[%mul3A_2, %dma_start3A_274] : memref<6400x128xi32, #tpu.memory_space<hbm>> -> memref<200x128xi32, #tpu.memory_space<hbm>>
      %dma_start3A_276 = arith.constant 0 : i32
      %dma_start3A_277 = tpu.memref_slice %arg2[%mul3A_2, %dma_start3A_276] : memref<6400x128xi32, #tpu.memory_space<hbm>> -> memref<200x128xi32, #tpu.memory_space<hbm>>
      tpu.enqueue_dma source(%dma_start3A_277 : memref<200x128xi32, #tpu.memory_space<hbm>>) target(%arg5 : memref<200x128xi32, #tpu.memory_space<vmem>>) target_semaphore(%run_scoped3A : memref<!tpu.dma_semaphore, #tpu.memory_space<semaphore_mem>>)
      %dma_wait3A_278 = arith.constant 0 : i32
      %dma_wait3A_279 = tpu.memref_slice %arg2[%mul3A_2, %dma_wait3A_278] : memref<6400x128xi32, #tpu.memory_space<hbm>> -> memref<200x128xi32, #tpu.memory_space<hbm>>
      %dma_wait3A_280 = arith.constant 0 : i32
      %dma_wait3A_281 = tpu.memref_slice %arg2[%mul3A_2, %dma_wait3A_280] : memref<6400x128xi32, #tpu.memory_space<hbm>> -> memref<200x128xi32, #tpu.memory_space<hbm>>
      tpu.wait_dma2 semaphore(%run_scoped3A : memref<!tpu.dma_semaphore, #tpu.memory_space<semaphore_mem>>) src(%dma_wait3A_281 : memref<200x128xi32, #tpu.memory_space<hbm>>) dst(%arg5 : memref<200x128xi32, #tpu.memory_space<vmem>>)
      tpu.yield
    }) : () -> ()
    %dma_start3A = arith.constant 0 : i32
    %dma_start3A_3 = arith.constant 0 : i32
    %dma_start3A_4 = arith.constant 0 : i32
    %dma_start3A_5 = arith.constant 0 : i32
    %dma_start3A_6 = tpu.memref_slice %arg6[%dma_start3A_3, %dma_start3A_4, %dma_start3A_5] : memref<4x128x128xf32, #tpu.memory_space<vmem>> -> memref<1x128x128xf32, #tpu.memory_space<vmem>>
    %dma_start3A_7 = tpu.memref_squeeze %dma_start3A_6 : memref<1x128x128xf32, #tpu.memory_space<vmem>> -> memref<128x128xf32, #tpu.memory_space<vmem>>
    %dma_start3A_8 = arith.constant 0 : i32
    %dma_start3A_9 = tpu.memref_slice %arg5[%dma_start3A, %dma_start3A_8] : memref<200x128xi32, #tpu.memory_space<vmem>> -> memref<1x128xi32, #tpu.memory_space<vmem>>
    %dma_start3A_10 = tpu.memref_squeeze %dma_start3A_9 : memref<1x128xi32, #tpu.memory_space<vmem>> -> memref<128xi32, #tpu.memory_space<vmem>>
    %dma_start3A_11 = arith.constant 0 : i32
    %dma_start3A_12 = arith.constant 0 : i32
    %dma_start3A_13 = tpu.memref_slice %arg3[%dma_start3A_11, %dma_start3A_12] : memref<100000x128xf32, #tpu.memory_space<hbm>> -> memref<100000x128xf32, #tpu.memory_space<hbm>>
    tpu.enqueue_indirect_dma source(%dma_start3A_13 : memref<100000x128xf32, #tpu.memory_space<hbm>>) target(%dma_start3A_7 : memref<128x128xf32, #tpu.memory_space<vmem>>) offsets(%dma_start3A_10 : memref<128xi32, #tpu.memory_space<vmem>>) semaphore(%arg7 : memref<!tpu.dma_semaphore, #tpu.memory_space<semaphore_mem>>)
    %dma_start3A_14 = arith.constant 1 : i32
    %dma_start3A_15 = arith.constant 1 : i32
    %dma_start3A_16 = arith.constant 0 : i32
    %dma_start3A_17 = arith.constant 0 : i32
    %dma_start3A_18 = tpu.memref_slice %arg6[%dma_start3A_15, %dma_start3A_16, %dma_start3A_17] : memref<4x128x128xf32, #tpu.memory_space<vmem>> -> memref<1x128x128xf32, #tpu.memory_space<vmem>>
    %dma_start3A_19 = tpu.memref_squeeze %dma_start3A_18 : memref<1x128x128xf32, #tpu.memory_space<vmem>> -> memref<128x128xf32, #tpu.memory_space<vmem>>
    %dma_start3A_20 = arith.constant 0 : i32
    %dma_start3A_21 = tpu.memref_slice %arg5[%dma_start3A_14, %dma_start3A_20] : memref<200x128xi32, #tpu.memory_space<vmem>> -> memref<1x128xi32, #tpu.memory_space<vmem>>
    %dma_start3A_22 = tpu.memref_squeeze %dma_start3A_21 : memref<1x128xi32, #tpu.memory_space<vmem>> -> memref<128xi32, #tpu.memory_space<vmem>>
    %dma_start3A_23 = arith.constant 0 : i32
    %dma_start3A_24 = arith.constant 0 : i32
    %dma_start3A_25 = tpu.memref_slice %arg3[%dma_start3A_23, %dma_start3A_24] : memref<100000x128xf32, #tpu.memory_space<hbm>> -> memref<100000x128xf32, #tpu.memory_space<hbm>>
    tpu.enqueue_indirect_dma source(%dma_start3A_25 : memref<100000x128xf32, #tpu.memory_space<hbm>>) target(%dma_start3A_19 : memref<128x128xf32, #tpu.memory_space<vmem>>) offsets(%dma_start3A_22 : memref<128xi32, #tpu.memory_space<vmem>>) semaphore(%arg8 : memref<!tpu.dma_semaphore, #tpu.memory_space<semaphore_mem>>)
    %dma_start3A_26 = arith.constant 2 : i32
    %dma_start3A_27 = arith.constant 2 : i32
    %dma_start3A_28 = arith.constant 0 : i32
    %dma_start3A_29 = arith.constant 0 : i32
    %dma_start3A_30 = tpu.memref_slice %arg6[%dma_start3A_27, %dma_start3A_28, %dma_start3A_29] : memref<4x128x128xf32, #tpu.memory_space<vmem>> -> memref<1x128x128xf32, #tpu.memory_space<vmem>>
    %dma_start3A_31 = tpu.memref_squeeze %dma_start3A_30 : memref<1x128x128xf32, #tpu.memory_space<vmem>> -> memref<128x128xf32, #tpu.memory_space<vmem>>
    %dma_start3A_32 = arith.constant 0 : i32
    %dma_start3A_33 = tpu.memref_slice %arg5[%dma_start3A_26, %dma_start3A_32] : memref<200x128xi32, #tpu.memory_space<vmem>> -> memref<1x128xi32, #tpu.memory_space<vmem>>
    %dma_start3A_34 = tpu.memref_squeeze %dma_start3A_33 : memref<1x128xi32, #tpu.memory_space<vmem>> -> memref<128xi32, #tpu.memory_space<vmem>>
    %dma_start3A_35 = arith.constant 0 : i32
    %dma_start3A_36 = arith.constant 0 : i32
    %dma_start3A_37 = tpu.memref_slice %arg3[%dma_start3A_35, %dma_start3A_36] : memref<100000x128xf32, #tpu.memory_space<hbm>> -> memref<100000x128xf32, #tpu.memory_space<hbm>>
    tpu.enqueue_indirect_dma source(%dma_start3A_37 : memref<100000x128xf32, #tpu.memory_space<hbm>>) target(%dma_start3A_31 : memref<128x128xf32, #tpu.memory_space<vmem>>) offsets(%dma_start3A_34 : memref<128xi32, #tpu.memory_space<vmem>>) semaphore(%arg9 : memref<!tpu.dma_semaphore, #tpu.memory_space<semaphore_mem>>)
    %dma_wait3A = arith.constant 0 : i32
    %dma_wait3A_38 = arith.constant 0 : i32
    %dma_wait3A_39 = arith.constant 0 : i32
    %dma_wait3A_40 = arith.constant 0 : i32
    %dma_wait3A_41 = tpu.memref_slice %arg6[%dma_wait3A_38, %dma_wait3A_39, %dma_wait3A_40] : memref<4x128x128xf32, #tpu.memory_space<vmem>> -> memref<1x128x128xf32, #tpu.memory_space<vmem>>
    %dma_wait3A_42 = tpu.memref_squeeze %dma_wait3A_41 : memref<1x128x128xf32, #tpu.memory_space<vmem>> -> memref<128x128xf32, #tpu.memory_space<vmem>>
    %dma_wait3A_43 = arith.constant 0 : i32
    %dma_wait3A_44 = arith.constant 0 : i32
    %dma_wait3A_45 = tpu.memref_slice %arg4[%dma_wait3A, %dma_wait3A_43, %dma_wait3A_44] : memref<6400x128x128xf32, #tpu.memory_space<hbm>> -> memref<1x128x128xf32, #tpu.memory_space<hbm>>
    %dma_wait3A_46 = tpu.memref_squeeze %dma_wait3A_45 : memref<1x128x128xf32, #tpu.memory_space<hbm>> -> memref<128x128xf32, #tpu.memory_space<hbm>>
    %dma_wait3A_47 = arith.constant 0 : i32
    %dma_wait3A_48 = arith.constant 0 : i32
    %dma_wait3A_49 = tpu.memref_slice %arg6[%dma_wait3A_38, %dma_wait3A_47, %dma_wait3A_48] : memref<4x128x128xf32, #tpu.memory_space<vmem>> -> memref<1x128x128xf32, #tpu.memory_space<vmem>>
    %dma_wait3A_50 = tpu.memref_squeeze %dma_wait3A_49 : memref<1x128x128xf32, #tpu.memory_space<vmem>> -> memref<128x128xf32, #tpu.memory_space<vmem>>
    %dma_wait3A_51 = arith.constant 0 : i32
    %dma_wait3A_52 = arith.constant 0 : i32
    %dma_wait3A_53 = tpu.memref_slice %arg4[%dma_wait3A, %dma_wait3A_51, %dma_wait3A_52] : memref<6400x128x128xf32, #tpu.memory_space<hbm>> -> memref<1x128x128xf32, #tpu.memory_space<hbm>>
    %dma_wait3A_54 = tpu.memref_squeeze %dma_wait3A_53 : memref<1x128x128xf32, #tpu.memory_space<hbm>> -> memref<128x128xf32, #tpu.memory_space<hbm>>
    tpu.wait_dma2 semaphore(%arg7 : memref<!tpu.dma_semaphore, #tpu.memory_space<semaphore_mem>>) src(%dma_wait3A_54 : memref<128x128xf32, #tpu.memory_space<hbm>>) dst(%dma_wait3A_50 : memref<128x128xf32, #tpu.memory_space<vmem>>)
    %add3A_55 = arith.constant 0 : i32
    %add3A_56 = arith.addi %mul3A_2, %add3A_55 : i32
    %dma_start3A_57 = arith.constant 0 : i32
    %dma_start3A_58 = arith.constant 0 : i32
    %dma_start3A_59 = arith.constant 0 : i32
    %dma_start3A_60 = tpu.memref_slice %arg6[%dma_start3A_57, %dma_start3A_58, %dma_start3A_59] : memref<4x128x128xf32, #tpu.memory_space<vmem>> -> memref<1x128x128xf32, #tpu.memory_space<vmem>>
    %dma_start3A_61 = tpu.memref_squeeze %dma_start3A_60 : memref<1x128x128xf32, #tpu.memory_space<vmem>> -> memref<128x128xf32, #tpu.memory_space<vmem>>
    %dma_start3A_62 = arith.constant 0 : i32
    %dma_start3A_63 = arith.constant 0 : i32
    %dma_start3A_64 = tpu.memref_slice %arg4[%add3A_56, %dma_start3A_62, %dma_start3A_63] : memref<6400x128x128xf32, #tpu.memory_space<hbm>> -> memref<1x128x128xf32, #tpu.memory_space<hbm>>
    %dma_start3A_65 = tpu.memref_squeeze %dma_start3A_64 : memref<1x128x128xf32, #tpu.memory_space<hbm>> -> memref<128x128xf32, #tpu.memory_space<hbm>>
    %dma_start3A_66 = arith.constant 0 : i32
    %dma_start3A_67 = arith.constant 0 : i32
    %dma_start3A_68 = tpu.memref_slice %arg4[%add3A_56, %dma_start3A_66, %dma_start3A_67] : memref<6400x128x128xf32, #tpu.memory_space<hbm>> -> memref<1x128x128xf32, #tpu.memory_space<hbm>>
    %dma_start3A_69 = tpu.memref_squeeze %dma_start3A_68 : memref<1x128x128xf32, #tpu.memory_space<hbm>> -> memref<128x128xf32, #tpu.memory_space<hbm>>
    %dma_start3A_70 = arith.constant 0 : i32
    %dma_start3A_71 = arith.constant 0 : i32
    %dma_start3A_72 = tpu.memref_slice %arg6[%dma_start3A_57, %dma_start3A_70, %dma_start3A_71] : memref<4x128x128xf32, #tpu.memory_space<vmem>> -> memref<1x128x128xf32, #tpu.memory_space<vmem>>
    %dma_start3A_73 = tpu.memref_squeeze %dma_start3A_72 : memref<1x128x128xf32, #tpu.memory_space<vmem>> -> memref<128x128xf32, #tpu.memory_space<vmem>>
    tpu.enqueue_dma source(%dma_start3A_73 : memref<128x128xf32, #tpu.memory_space<vmem>>) target(%dma_start3A_69 : memref<128x128xf32, #tpu.memory_space<hbm>>) target_semaphore(%arg11 : memref<!tpu.dma_semaphore, #tpu.memory_space<semaphore_mem>>)
    %dma_start3A_74 = arith.constant 3 : i32
    %dma_start3A_75 = arith.constant 3 : i32
    %dma_start3A_76 = arith.constant 0 : i32
    %dma_start3A_77 = arith.constant 0 : i32
    %dma_start3A_78 = tpu.memref_slice %arg6[%dma_start3A_75, %dma_start3A_76, %dma_start3A_77] : memref<4x128x128xf32, #tpu.memory_space<vmem>> -> memref<1x128x128xf32, #tpu.memory_space<vmem>>
    %dma_start3A_79 = tpu.memref_squeeze %dma_start3A_78 : memref<1x128x128xf32, #tpu.memory_space<vmem>> -> memref<128x128xf32, #tpu.memory_space<vmem>>
    %dma_start3A_80 = arith.constant 0 : i32
    %dma_start3A_81 = tpu.memref_slice %arg5[%dma_start3A_74, %dma_start3A_80] : memref<200x128xi32, #tpu.memory_space<vmem>> -> memref<1x128xi32, #tpu.memory_space<vmem>>
    %dma_start3A_82 = tpu.memref_squeeze %dma_start3A_81 : memref<1x128xi32, #tpu.memory_space<vmem>> -> memref<128xi32, #tpu.memory_space<vmem>>
    %dma_start3A_83 = arith.constant 0 : i32
    %dma_start3A_84 = arith.constant 0 : i32
    %dma_start3A_85 = tpu.memref_slice %arg3[%dma_start3A_83, %dma_start3A_84] : memref<100000x128xf32, #tpu.memory_space<hbm>> -> memref<100000x128xf32, #tpu.memory_space<hbm>>
    tpu.enqueue_indirect_dma source(%dma_start3A_85 : memref<100000x128xf32, #tpu.memory_space<hbm>>) target(%dma_start3A_79 : memref<128x128xf32, #tpu.memory_space<vmem>>) offsets(%dma_start3A_82 : memref<128xi32, #tpu.memory_space<vmem>>) semaphore(%arg10 : memref<!tpu.dma_semaphore, #tpu.memory_space<semaphore_mem>>)
    %dma_wait3A_86 = arith.constant 0 : i32
    %dma_wait3A_87 = arith.constant 1 : i32
    %dma_wait3A_88 = arith.constant 0 : i32
    %dma_wait3A_89 = arith.constant 0 : i32
    %dma_wait3A_90 = tpu.memref_slice %arg6[%dma_wait3A_87, %dma_wait3A_88, %dma_wait3A_89] : memref<4x128x128xf32, #tpu.memory_space<vmem>> -> memref<1x128x128xf32, #tpu.memory_space<vmem>>
    %dma_wait3A_91 = tpu.memref_squeeze %dma_wait3A_90 : memref<1x128x128xf32, #tpu.memory_space<vmem>> -> memref<128x128xf32, #tpu.memory_space<vmem>>
    %dma_wait3A_92 = arith.constant 0 : i32
    %dma_wait3A_93 = arith.constant 0 : i32
    %dma_wait3A_94 = tpu.memref_slice %arg4[%dma_wait3A_86, %dma_wait3A_92, %dma_wait3A_93] : memref<6400x128x128xf32, #tpu.memory_space<hbm>> -> memref<1x128x128xf32, #tpu.memory_space<hbm>>
    %dma_wait3A_95 = tpu.memref_squeeze %dma_wait3A_94 : memref<1x128x128xf32, #tpu.memory_space<hbm>> -> memref<128x128xf32, #tpu.memory_space<hbm>>
    %dma_wait3A_96 = arith.constant 0 : i32
    %dma_wait3A_97 = arith.constant 0 : i32
    %dma_wait3A_98 = tpu.memref_slice %arg6[%dma_wait3A_87, %dma_wait3A_96, %dma_wait3A_97] : memref<4x128x128xf32, #tpu.memory_space<vmem>> -> memref<1x128x128xf32, #tpu.memory_space<vmem>>
    %dma_wait3A_99 = tpu.memref_squeeze %dma_wait3A_98 : memref<1x128x128xf32, #tpu.memory_space<vmem>> -> memref<128x128xf32, #tpu.memory_space<vmem>>
    %dma_wait3A_100 = arith.constant 0 : i32
    %dma_wait3A_101 = arith.constant 0 : i32
    %dma_wait3A_102 = tpu.memref_slice %arg4[%dma_wait3A_86, %dma_wait3A_100, %dma_wait3A_101] : memref<6400x128x128xf32, #tpu.memory_space<hbm>> -> memref<1x128x128xf32, #tpu.memory_space<hbm>>
    %dma_wait3A_103 = tpu.memref_squeeze %dma_wait3A_102 : memref<1x128x128xf32, #tpu.memory_space<hbm>> -> memref<128x128xf32, #tpu.memory_space<hbm>>
    tpu.wait_dma2 semaphore(%arg8 : memref<!tpu.dma_semaphore, #tpu.memory_space<semaphore_mem>>) src(%dma_wait3A_103 : memref<128x128xf32, #tpu.memory_space<hbm>>) dst(%dma_wait3A_99 : memref<128x128xf32, #tpu.memory_space<vmem>>)
    %add3A_104 = arith.constant 1 : i32
    %add3A_105 = arith.addi %mul3A_2, %add3A_104 : i32
    %dma_start3A_106 = arith.constant 1 : i32
    %dma_start3A_107 = arith.constant 0 : i32
    %dma_start3A_108 = arith.constant 0 : i32
    %dma_start3A_109 = tpu.memref_slice %arg6[%dma_start3A_106, %dma_start3A_107, %dma_start3A_108] : memref<4x128x128xf32, #tpu.memory_space<vmem>> -> memref<1x128x128xf32, #tpu.memory_space<vmem>>
    %dma_start3A_110 = tpu.memref_squeeze %dma_start3A_109 : memref<1x128x128xf32, #tpu.memory_space<vmem>> -> memref<128x128xf32, #tpu.memory_space<vmem>>
    %dma_start3A_111 = arith.constant 0 : i32
    %dma_start3A_112 = arith.constant 0 : i32
    %dma_start3A_113 = tpu.memref_slice %arg4[%add3A_105, %dma_start3A_111, %dma_start3A_112] : memref<6400x128x128xf32, #tpu.memory_space<hbm>> -> memref<1x128x128xf32, #tpu.memory_space<hbm>>
    %dma_start3A_114 = tpu.memref_squeeze %dma_start3A_113 : memref<1x128x128xf32, #tpu.memory_space<hbm>> -> memref<128x128xf32, #tpu.memory_space<hbm>>
    %dma_start3A_115 = arith.constant 0 : i32
    %dma_start3A_116 = arith.constant 0 : i32
    %dma_start3A_117 = tpu.memref_slice %arg4[%add3A_105, %dma_start3A_115, %dma_start3A_116] : memref<6400x128x128xf32, #tpu.memory_space<hbm>> -> memref<1x128x128xf32, #tpu.memory_space<hbm>>
    %dma_start3A_118 = tpu.memref_squeeze %dma_start3A_117 : memref<1x128x128xf32, #tpu.memory_space<hbm>> -> memref<128x128xf32, #tpu.memory_space<hbm>>
    %dma_start3A_119 = arith.constant 0 : i32
    %dma_start3A_120 = arith.constant 0 : i32
    %dma_start3A_121 = tpu.memref_slice %arg6[%dma_start3A_106, %dma_start3A_119, %dma_start3A_120] : memref<4x128x128xf32, #tpu.memory_space<vmem>> -> memref<1x128x128xf32, #tpu.memory_space<vmem>>
    %dma_start3A_122 = tpu.memref_squeeze %dma_start3A_121 : memref<1x128x128xf32, #tpu.memory_space<vmem>> -> memref<128x128xf32, #tpu.memory_space<vmem>>
    tpu.enqueue_dma source(%dma_start3A_122 : memref<128x128xf32, #tpu.memory_space<vmem>>) target(%dma_start3A_118 : memref<128x128xf32, #tpu.memory_space<hbm>>) target_semaphore(%arg12 : memref<!tpu.dma_semaphore, #tpu.memory_space<semaphore_mem>>)
    %scan3A = arith.constant 0 : i32
    %scan3A_123 = arith.constant 0 : i32
    %scan3A_124 = arith.constant 49 : i32
    %scan3A_125 = arith.addi %scan3A_123, %scan3A_124 : i32
    %scan3A_126 = arith.constant 1 : i32
    scf.for %scan3A_274 = %scan3A_123 to %scan3A_125 step %scan3A_126  : i32 {
      %mul3A_275 = arith.constant 4 : i32
      %mul3A_276 = arith.muli %mul3A_275, %scan3A_274 : i32
      %add3A_277 = arith.constant 2 : i32
      %add3A_278 = arith.addi %add3A_277, %mul3A_276 : i32
      %add3A_279 = arith.constant 0 : i32
      %add3A_280 = arith.addi %add3A_278, %add3A_279 : i32
      %dma_wait3A_281 = arith.constant 0 : i32
      %dma_wait3A_282 = arith.constant 0 : i32
      %dma_wait3A_283 = arith.constant 0 : i32
      %dma_wait3A_284 = arith.constant 0 : i32
      %dma_wait3A_285 = tpu.memref_slice %arg6[%dma_wait3A_281, %dma_wait3A_283, %dma_wait3A_284] : memref<4x128x128xf32, #tpu.memory_space<vmem>> -> memref<1x128x128xf32, #tpu.memory_space<vmem>>
      %dma_wait3A_286 = tpu.memref_squeeze %dma_wait3A_285 : memref<1x128x128xf32, #tpu.memory_space<vmem>> -> memref<128x128xf32, #tpu.memory_space<vmem>>
      %dma_wait3A_287 = arith.constant 0 : i32
      %dma_wait3A_288 = arith.constant 0 : i32
      %dma_wait3A_289 = tpu.memref_slice %arg4[%dma_wait3A_282, %dma_wait3A_287, %dma_wait3A_288] : memref<6400x128x128xf32, #tpu.memory_space<hbm>> -> memref<1x128x128xf32, #tpu.memory_space<hbm>>
      %dma_wait3A_290 = tpu.memref_squeeze %dma_wait3A_289 : memref<1x128x128xf32, #tpu.memory_space<hbm>> -> memref<128x128xf32, #tpu.memory_space<hbm>>
      %dma_wait3A_291 = arith.constant 0 : i32
      %dma_wait3A_292 = arith.constant 0 : i32
      %dma_wait3A_293 = tpu.memref_slice %arg4[%dma_wait3A_282, %dma_wait3A_291, %dma_wait3A_292] : memref<6400x128x128xf32, #tpu.memory_space<hbm>> -> memref<1x128x128xf32, #tpu.memory_space<hbm>>
      %dma_wait3A_294 = tpu.memref_squeeze %dma_wait3A_293 : memref<1x128x128xf32, #tpu.memory_space<hbm>> -> memref<128x128xf32, #tpu.memory_space<hbm>>
      %dma_wait3A_295 = arith.constant 0 : i32
      %dma_wait3A_296 = arith.constant 0 : i32
      %dma_wait3A_297 = tpu.memref_slice %arg6[%dma_wait3A_281, %dma_wait3A_295, %dma_wait3A_296] : memref<4x128x128xf32, #tpu.memory_space<vmem>> -> memref<1x128x128xf32, #tpu.memory_space<vmem>>
      %dma_wait3A_298 = tpu.memref_squeeze %dma_wait3A_297 : memref<1x128x128xf32, #tpu.memory_space<vmem>> -> memref<128x128xf32, #tpu.memory_space<vmem>>
      tpu.wait_dma2 semaphore(%arg11 : memref<!tpu.dma_semaphore, #tpu.memory_space<semaphore_mem>>) src(%dma_wait3A_298 : memref<128x128xf32, #tpu.memory_space<vmem>>) dst(%dma_wait3A_294 : memref<128x128xf32, #tpu.memory_space<hbm>>)
      %add3A_299 = arith.constant 2 : i32
      %add3A_300 = arith.addi %add3A_280, %add3A_299 : i32
      %dma_start3A_301 = arith.constant 0 : i32
      %dma_start3A_302 = arith.constant 0 : i32
      %dma_start3A_303 = arith.constant 0 : i32
      %dma_start3A_304 = tpu.memref_slice %arg6[%dma_start3A_301, %dma_start3A_302, %dma_start3A_303] : memref<4x128x128xf32, #tpu.memory_space<vmem>> -> memref<1x128x128xf32, #tpu.memory_space<vmem>>
      %dma_start3A_305 = tpu.memref_squeeze %dma_start3A_304 : memref<1x128x128xf32, #tpu.memory_space<vmem>> -> memref<128x128xf32, #tpu.memory_space<vmem>>
      %dma_start3A_306 = arith.constant 0 : i32
      %dma_start3A_307 = tpu.memref_slice %arg5[%add3A_300, %dma_start3A_306] : memref<200x128xi32, #tpu.memory_space<vmem>> -> memref<1x128xi32, #tpu.memory_space<vmem>>
      %dma_start3A_308 = tpu.memref_squeeze %dma_start3A_307 : memref<1x128xi32, #tpu.memory_space<vmem>> -> memref<128xi32, #tpu.memory_space<vmem>>
      %dma_start3A_309 = arith.constant 0 : i32
      %dma_start3A_310 = arith.constant 0 : i32
      %dma_start3A_311 = tpu.memref_slice %arg3[%dma_start3A_309, %dma_start3A_310] : memref<100000x128xf32, #tpu.memory_space<hbm>> -> memref<100000x128xf32, #tpu.memory_space<hbm>>
      tpu.enqueue_indirect_dma source(%dma_start3A_311 : memref<100000x128xf32, #tpu.memory_space<hbm>>) target(%dma_start3A_305 : memref<128x128xf32, #tpu.memory_space<vmem>>) offsets(%dma_start3A_308 : memref<128xi32, #tpu.memory_space<vmem>>) semaphore(%arg7 : memref<!tpu.dma_semaphore, #tpu.memory_space<semaphore_mem>>)
      %dma_wait3A_312 = arith.constant 0 : i32
      %dma_wait3A_313 = arith.constant 2 : i32
      %dma_wait3A_314 = arith.constant 0 : i32
      %dma_wait3A_315 = arith.constant 0 : i32
      %dma_wait3A_316 = tpu.memref_slice %arg6[%dma_wait3A_313, %dma_wait3A_314, %dma_wait3A_315] : memref<4x128x128xf32, #tpu.memory_space<vmem>> -> memref<1x128x128xf32, #tpu.memory_space<vmem>>
      %dma_wait3A_317 = tpu.memref_squeeze %dma_wait3A_316 : memref<1x128x128xf32, #tpu.memory_space<vmem>> -> memref<128x128xf32, #tpu.memory_space<vmem>>
      %dma_wait3A_318 = arith.constant 0 : i32
      %dma_wait3A_319 = arith.constant 0 : i32
      %dma_wait3A_320 = tpu.memref_slice %arg4[%dma_wait3A_312, %dma_wait3A_318, %dma_wait3A_319] : memref<6400x128x128xf32, #tpu.memory_space<hbm>> -> memref<1x128x128xf32, #tpu.memory_space<hbm>>
      %dma_wait3A_321 = tpu.memref_squeeze %dma_wait3A_320 : memref<1x128x128xf32, #tpu.memory_space<hbm>> -> memref<128x128xf32, #tpu.memory_space<hbm>>
      %dma_wait3A_322 = arith.constant 0 : i32
      %dma_wait3A_323 = arith.constant 0 : i32
      %dma_wait3A_324 = tpu.memref_slice %arg6[%dma_wait3A_313, %dma_wait3A_322, %dma_wait3A_323] : memref<4x128x128xf32, #tpu.memory_space<vmem>> -> memref<1x128x128xf32, #tpu.memory_space<vmem>>
      %dma_wait3A_325 = tpu.memref_squeeze %dma_wait3A_324 : memref<1x128x128xf32, #tpu.memory_space<vmem>> -> memref<128x128xf32, #tpu.memory_space<vmem>>
      %dma_wait3A_326 = arith.constant 0 : i32
      %dma_wait3A_327 = arith.constant 0 : i32
      %dma_wait3A_328 = tpu.memref_slice %arg4[%dma_wait3A_312, %dma_wait3A_326, %dma_wait3A_327] : memref<6400x128x128xf32, #tpu.memory_space<hbm>> -> memref<1x128x128xf32, #tpu.memory_space<hbm>>
      %dma_wait3A_329 = tpu.memref_squeeze %dma_wait3A_328 : memref<1x128x128xf32, #tpu.memory_space<hbm>> -> memref<128x128xf32, #tpu.memory_space<hbm>>
      tpu.wait_dma2 semaphore(%arg9 : memref<!tpu.dma_semaphore, #tpu.memory_space<semaphore_mem>>) src(%dma_wait3A_329 : memref<128x128xf32, #tpu.memory_space<hbm>>) dst(%dma_wait3A_325 : memref<128x128xf32, #tpu.memory_space<vmem>>)
      %add3A_330 = arith.addi %mul3A_2, %add3A_280 : i32
      %dma_start3A_331 = arith.constant 2 : i32
      %dma_start3A_332 = arith.constant 0 : i32
      %dma_start3A_333 = arith.constant 0 : i32
      %dma_start3A_334 = tpu.memref_slice %arg6[%dma_start3A_331, %dma_start3A_332, %dma_start3A_333] : memref<4x128x128xf32, #tpu.memory_space<vmem>> -> memref<1x128x128xf32, #tpu.memory_space<vmem>>
      %dma_start3A_335 = tpu.memref_squeeze %dma_start3A_334 : memref<1x128x128xf32, #tpu.memory_space<vmem>> -> memref<128x128xf32, #tpu.memory_space<vmem>>
      %dma_start3A_336 = arith.constant 0 : i32
      %dma_start3A_337 = arith.constant 0 : i32
      %dma_start3A_338 = tpu.memref_slice %arg4[%add3A_330, %dma_start3A_336, %dma_start3A_337] : memref<6400x128x128xf32, #tpu.memory_space<hbm>> -> memref<1x128x128xf32, #tpu.memory_space<hbm>>
      %dma_start3A_339 = tpu.memref_squeeze %dma_start3A_338 : memref<1x128x128xf32, #tpu.memory_space<hbm>> -> memref<128x128xf32, #tpu.memory_space<hbm>>
      %dma_start3A_340 = arith.constant 0 : i32
      %dma_start3A_341 = arith.constant 0 : i32
      %dma_start3A_342 = tpu.memref_slice %arg4[%add3A_330, %dma_start3A_340, %dma_start3A_341] : memref<6400x128x128xf32, #tpu.memory_space<hbm>> -> memref<1x128x128xf32, #tpu.memory_space<hbm>>
      %dma_start3A_343 = tpu.memref_squeeze %dma_start3A_342 : memref<1x128x128xf32, #tpu.memory_space<hbm>> -> memref<128x128xf32, #tpu.memory_space<hbm>>
      %dma_start3A_344 = arith.constant 0 : i32
      %dma_start3A_345 = arith.constant 0 : i32
      %dma_start3A_346 = tpu.memref_slice %arg6[%dma_start3A_331, %dma_start3A_344, %dma_start3A_345] : memref<4x128x128xf32, #tpu.memory_space<vmem>> -> memref<1x128x128xf32, #tpu.memory_space<vmem>>
      %dma_start3A_347 = tpu.memref_squeeze %dma_start3A_346 : memref<1x128x128xf32, #tpu.memory_space<vmem>> -> memref<128x128xf32, #tpu.memory_space<vmem>>
      tpu.enqueue_dma source(%dma_start3A_347 : memref<128x128xf32, #tpu.memory_space<vmem>>) target(%dma_start3A_343 : memref<128x128xf32, #tpu.memory_space<hbm>>) target_semaphore(%arg13 : memref<!tpu.dma_semaphore, #tpu.memory_space<semaphore_mem>>)
      %mul3A_348 = arith.constant 4 : i32
      %mul3A_349 = arith.muli %mul3A_348, %scan3A_274 : i32
      %add3A_350 = arith.constant 2 : i32
      %add3A_351 = arith.addi %add3A_350, %mul3A_349 : i32
      %add3A_352 = arith.constant 1 : i32
      %add3A_353 = arith.addi %add3A_351, %add3A_352 : i32
      %dma_wait3A_354 = arith.constant 1 : i32
      %dma_wait3A_355 = arith.constant 0 : i32
      %dma_wait3A_356 = arith.constant 0 : i32
      %dma_wait3A_357 = arith.constant 0 : i32
      %dma_wait3A_358 = tpu.memref_slice %arg6[%dma_wait3A_354, %dma_wait3A_356, %dma_wait3A_357] : memref<4x128x128xf32, #tpu.memory_space<vmem>> -> memref<1x128x128xf32, #tpu.memory_space<vmem>>
      %dma_wait3A_359 = tpu.memref_squeeze %dma_wait3A_358 : memref<1x128x128xf32, #tpu.memory_space<vmem>> -> memref<128x128xf32, #tpu.memory_space<vmem>>
      %dma_wait3A_360 = arith.constant 0 : i32
      %dma_wait3A_361 = arith.constant 0 : i32
      %dma_wait3A_362 = tpu.memref_slice %arg4[%dma_wait3A_355, %dma_wait3A_360, %dma_wait3A_361] : memref<6400x128x128xf32, #tpu.memory_space<hbm>> -> memref<1x128x128xf32, #tpu.memory_space<hbm>>
      %dma_wait3A_363 = tpu.memref_squeeze %dma_wait3A_362 : memref<1x128x128xf32, #tpu.memory_space<hbm>> -> memref<128x128xf32, #tpu.memory_space<hbm>>
      %dma_wait3A_364 = arith.constant 0 : i32
      %dma_wait3A_365 = arith.constant 0 : i32
      %dma_wait3A_366 = tpu.memref_slice %arg4[%dma_wait3A_355, %dma_wait3A_364, %dma_wait3A_365] : memref<6400x128x128xf32, #tpu.memory_space<hbm>> -> memref<1x128x128xf32, #tpu.memory_space<hbm>>
      %dma_wait3A_367 = tpu.memref_squeeze %dma_wait3A_366 : memref<1x128x128xf32, #tpu.memory_space<hbm>> -> memref<128x128xf32, #tpu.memory_space<hbm>>
      %dma_wait3A_368 = arith.constant 0 : i32
      %dma_wait3A_369 = arith.constant 0 : i32
      %dma_wait3A_370 = tpu.memref_slice %arg6[%dma_wait3A_354, %dma_wait3A_368, %dma_wait3A_369] : memref<4x128x128xf32, #tpu.memory_space<vmem>> -> memref<1x128x128xf32, #tpu.memory_space<vmem>>
      %dma_wait3A_371 = tpu.memref_squeeze %dma_wait3A_370 : memref<1x128x128xf32, #tpu.memory_space<vmem>> -> memref<128x128xf32, #tpu.memory_space<vmem>>
      tpu.wait_dma2 semaphore(%arg12 : memref<!tpu.dma_semaphore, #tpu.memory_space<semaphore_mem>>) src(%dma_wait3A_371 : memref<128x128xf32, #tpu.memory_space<vmem>>) dst(%dma_wait3A_367 : memref<128x128xf32, #tpu.memory_space<hbm>>)
      %add3A_372 = arith.constant 2 : i32
      %add3A_373 = arith.addi %add3A_353, %add3A_372 : i32
      %dma_start3A_374 = arith.constant 1 : i32
      %dma_start3A_375 = arith.constant 0 : i32
      %dma_start3A_376 = arith.constant 0 : i32
      %dma_start3A_377 = tpu.memref_slice %arg6[%dma_start3A_374, %dma_start3A_375, %dma_start3A_376] : memref<4x128x128xf32, #tpu.memory_space<vmem>> -> memref<1x128x128xf32, #tpu.memory_space<vmem>>
      %dma_start3A_378 = tpu.memref_squeeze %dma_start3A_377 : memref<1x128x128xf32, #tpu.memory_space<vmem>> -> memref<128x128xf32, #tpu.memory_space<vmem>>
      %dma_start3A_379 = arith.constant 0 : i32
      %dma_start3A_380 = tpu.memref_slice %arg5[%add3A_373, %dma_start3A_379] : memref<200x128xi32, #tpu.memory_space<vmem>> -> memref<1x128xi32, #tpu.memory_space<vmem>>
      %dma_start3A_381 = tpu.memref_squeeze %dma_start3A_380 : memref<1x128xi32, #tpu.memory_space<vmem>> -> memref<128xi32, #tpu.memory_space<vmem>>
      %dma_start3A_382 = arith.constant 0 : i32
      %dma_start3A_383 = arith.constant 0 : i32
      %dma_start3A_384 = tpu.memref_slice %arg3[%dma_start3A_382, %dma_start3A_383] : memref<100000x128xf32, #tpu.memory_space<hbm>> -> memref<100000x128xf32, #tpu.memory_space<hbm>>
      tpu.enqueue_indirect_dma source(%dma_start3A_384 : memref<100000x128xf32, #tpu.memory_space<hbm>>) target(%dma_start3A_378 : memref<128x128xf32, #tpu.memory_space<vmem>>) offsets(%dma_start3A_381 : memref<128xi32, #tpu.memory_space<vmem>>) semaphore(%arg8 : memref<!tpu.dma_semaphore, #tpu.memory_space<semaphore_mem>>)
      %dma_wait3A_385 = arith.constant 0 : i32
      %dma_wait3A_386 = arith.constant 3 : i32
      %dma_wait3A_387 = arith.constant 0 : i32
      %dma_wait3A_388 = arith.constant 0 : i32
      %dma_wait3A_389 = tpu.memref_slice %arg6[%dma_wait3A_386, %dma_wait3A_387, %dma_wait3A_388] : memref<4x128x128xf32, #tpu.memory_space<vmem>> -> memref<1x128x128xf32, #tpu.memory_space<vmem>>
      %dma_wait3A_390 = tpu.memref_squeeze %dma_wait3A_389 : memref<1x128x128xf32, #tpu.memory_space<vmem>> -> memref<128x128xf32, #tpu.memory_space<vmem>>
      %dma_wait3A_391 = arith.constant 0 : i32
      %dma_wait3A_392 = arith.constant 0 : i32
      %dma_wait3A_393 = tpu.memref_slice %arg4[%dma_wait3A_385, %dma_wait3A_391, %dma_wait3A_392] : memref<6400x128x128xf32, #tpu.memory_space<hbm>> -> memref<1x128x128xf32, #tpu.memory_space<hbm>>
      %dma_wait3A_394 = tpu.memref_squeeze %dma_wait3A_393 : memref<1x128x128xf32, #tpu.memory_space<hbm>> -> memref<128x128xf32, #tpu.memory_space<hbm>>
      %dma_wait3A_395 = arith.constant 0 : i32
      %dma_wait3A_396 = arith.constant 0 : i32
      %dma_wait3A_397 = tpu.memref_slice %arg6[%dma_wait3A_386, %dma_wait3A_395, %dma_wait3A_396] : memref<4x128x128xf32, #tpu.memory_space<vmem>> -> memref<1x128x128xf32, #tpu.memory_space<vmem>>
      %dma_wait3A_398 = tpu.memref_squeeze %dma_wait3A_397 : memref<1x128x128xf32, #tpu.memory_space<vmem>> -> memref<128x128xf32, #tpu.memory_space<vmem>>
      %dma_wait3A_399 = arith.constant 0 : i32
      %dma_wait3A_400 = arith.constant 0 : i32
      %dma_wait3A_401 = tpu.memref_slice %arg4[%dma_wait3A_385, %dma_wait3A_399, %dma_wait3A_400] : memref<6400x128x128xf32, #tpu.memory_space<hbm>> -> memref<1x128x128xf32, #tpu.memory_space<hbm>>
      %dma_wait3A_402 = tpu.memref_squeeze %dma_wait3A_401 : memref<1x128x128xf32, #tpu.memory_space<hbm>> -> memref<128x128xf32, #tpu.memory_space<hbm>>
      tpu.wait_dma2 semaphore(%arg10 : memref<!tpu.dma_semaphore, #tpu.memory_space<semaphore_mem>>) src(%dma_wait3A_402 : memref<128x128xf32, #tpu.memory_space<hbm>>) dst(%dma_wait3A_398 : memref<128x128xf32, #tpu.memory_space<vmem>>)
      %add3A_403 = arith.addi %mul3A_2, %add3A_353 : i32
      %dma_start3A_404 = arith.constant 3 : i32
      %dma_start3A_405 = arith.constant 0 : i32
      %dma_start3A_406 = arith.constant 0 : i32
      %dma_start3A_407 = tpu.memref_slice %arg6[%dma_start3A_404, %dma_start3A_405, %dma_start3A_406] : memref<4x128x128xf32, #tpu.memory_space<vmem>> -> memref<1x128x128xf32, #tpu.memory_space<vmem>>
      %dma_start3A_408 = tpu.memref_squeeze %dma_start3A_407 : memref<1x128x128xf32, #tpu.memory_space<vmem>> -> memref<128x128xf32, #tpu.memory_space<vmem>>
      %dma_start3A_409 = arith.constant 0 : i32
      %dma_start3A_410 = arith.constant 0 : i32
      %dma_start3A_411 = tpu.memref_slice %arg4[%add3A_403, %dma_start3A_409, %dma_start3A_410] : memref<6400x128x128xf32, #tpu.memory_space<hbm>> -> memref<1x128x128xf32, #tpu.memory_space<hbm>>
      %dma_start3A_412 = tpu.memref_squeeze %dma_start3A_411 : memref<1x128x128xf32, #tpu.memory_space<hbm>> -> memref<128x128xf32, #tpu.memory_space<hbm>>
      %dma_start3A_413 = arith.constant 0 : i32
      %dma_start3A_414 = arith.constant 0 : i32
      %dma_start3A_415 = tpu.memref_slice %arg4[%add3A_403, %dma_start3A_413, %dma_start3A_414] : memref<6400x128x128xf32, #tpu.memory_space<hbm>> -> memref<1x128x128xf32, #tpu.memory_space<hbm>>
      %dma_start3A_416 = tpu.memref_squeeze %dma_start3A_415 : memref<1x128x128xf32, #tpu.memory_space<hbm>> -> memref<128x128xf32, #tpu.memory_space<hbm>>
      %dma_start3A_417 = arith.constant 0 : i32
      %dma_start3A_418 = arith.constant 0 : i32
      %dma_start3A_419 = tpu.memref_slice %arg6[%dma_start3A_404, %dma_start3A_417, %dma_start3A_418] : memref<4x128x128xf32, #tpu.memory_space<vmem>> -> memref<1x128x128xf32, #tpu.memory_space<vmem>>
      %dma_start3A_420 = tpu.memref_squeeze %dma_start3A_419 : memref<1x128x128xf32, #tpu.memory_space<vmem>> -> memref<128x128xf32, #tpu.memory_space<vmem>>
      tpu.enqueue_dma source(%dma_start3A_420 : memref<128x128xf32, #tpu.memory_space<vmem>>) target(%dma_start3A_416 : memref<128x128xf32, #tpu.memory_space<hbm>>) target_semaphore(%arg14 : memref<!tpu.dma_semaphore, #tpu.memory_space<semaphore_mem>>)
      %mul3A_421 = arith.constant 4 : i32
      %mul3A_422 = arith.muli %mul3A_421, %scan3A_274 : i32
      %add3A_423 = arith.constant 2 : i32
      %add3A_424 = arith.addi %add3A_423, %mul3A_422 : i32
      %add3A_425 = arith.constant 2 : i32
      %add3A_426 = arith.addi %add3A_424, %add3A_425 : i32
      %dma_wait3A_427 = arith.constant 2 : i32
      %dma_wait3A_428 = arith.constant 0 : i32
      %dma_wait3A_429 = arith.constant 0 : i32
      %dma_wait3A_430 = arith.constant 0 : i32
      %dma_wait3A_431 = tpu.memref_slice %arg6[%dma_wait3A_427, %dma_wait3A_429, %dma_wait3A_430] : memref<4x128x128xf32, #tpu.memory_space<vmem>> -> memref<1x128x128xf32, #tpu.memory_space<vmem>>
      %dma_wait3A_432 = tpu.memref_squeeze %dma_wait3A_431 : memref<1x128x128xf32, #tpu.memory_space<vmem>> -> memref<128x128xf32, #tpu.memory_space<vmem>>
      %dma_wait3A_433 = arith.constant 0 : i32
      %dma_wait3A_434 = arith.constant 0 : i32
      %dma_wait3A_435 = tpu.memref_slice %arg4[%dma_wait3A_428, %dma_wait3A_433, %dma_wait3A_434] : memref<6400x128x128xf32, #tpu.memory_space<hbm>> -> memref<1x128x128xf32, #tpu.memory_space<hbm>>
      %dma_wait3A_436 = tpu.memref_squeeze %dma_wait3A_435 : memref<1x128x128xf32, #tpu.memory_space<hbm>> -> memref<128x128xf32, #tpu.memory_space<hbm>>
      %dma_wait3A_437 = arith.constant 0 : i32
      %dma_wait3A_438 = arith.constant 0 : i32
      %dma_wait3A_439 = tpu.memref_slice %arg4[%dma_wait3A_428, %dma_wait3A_437, %dma_wait3A_438] : memref<6400x128x128xf32, #tpu.memory_space<hbm>> -> memref<1x128x128xf32, #tpu.memory_space<hbm>>
      %dma_wait3A_440 = tpu.memref_squeeze %dma_wait3A_439 : memref<1x128x128xf32, #tpu.memory_space<hbm>> -> memref<128x128xf32, #tpu.memory_space<hbm>>
      %dma_wait3A_441 = arith.constant 0 : i32
      %dma_wait3A_442 = arith.constant 0 : i32
      %dma_wait3A_443 = tpu.memref_slice %arg6[%dma_wait3A_427, %dma_wait3A_441, %dma_wait3A_442] : memref<4x128x128xf32, #tpu.memory_space<vmem>> -> memref<1x128x128xf32, #tpu.memory_space<vmem>>
      %dma_wait3A_444 = tpu.memref_squeeze %dma_wait3A_443 : memref<1x128x128xf32, #tpu.memory_space<vmem>> -> memref<128x128xf32, #tpu.memory_space<vmem>>
      tpu.wait_dma2 semaphore(%arg13 : memref<!tpu.dma_semaphore, #tpu.memory_space<semaphore_mem>>) src(%dma_wait3A_444 : memref<128x128xf32, #tpu.memory_space<vmem>>) dst(%dma_wait3A_440 : memref<128x128xf32, #tpu.memory_space<hbm>>)
      %add3A_445 = arith.constant 2 : i32
      %add3A_446 = arith.addi %add3A_426, %add3A_445 : i32
      %dma_start3A_447 = arith.constant 2 : i32
      %dma_start3A_448 = arith.constant 0 : i32
      %dma_start3A_449 = arith.constant 0 : i32
      %dma_start3A_450 = tpu.memref_slice %arg6[%dma_start3A_447, %dma_start3A_448, %dma_start3A_449] : memref<4x128x128xf32, #tpu.memory_space<vmem>> -> memref<1x128x128xf32, #tpu.memory_space<vmem>>
      %dma_start3A_451 = tpu.memref_squeeze %dma_start3A_450 : memref<1x128x128xf32, #tpu.memory_space<vmem>> -> memref<128x128xf32, #tpu.memory_space<vmem>>
      %dma_start3A_452 = arith.constant 0 : i32
      %dma_start3A_453 = tpu.memref_slice %arg5[%add3A_446, %dma_start3A_452] : memref<200x128xi32, #tpu.memory_space<vmem>> -> memref<1x128xi32, #tpu.memory_space<vmem>>
      %dma_start3A_454 = tpu.memref_squeeze %dma_start3A_453 : memref<1x128xi32, #tpu.memory_space<vmem>> -> memref<128xi32, #tpu.memory_space<vmem>>
      %dma_start3A_455 = arith.constant 0 : i32
      %dma_start3A_456 = arith.constant 0 : i32
      %dma_start3A_457 = tpu.memref_slice %arg3[%dma_start3A_455, %dma_start3A_456] : memref<100000x128xf32, #tpu.memory_space<hbm>> -> memref<100000x128xf32, #tpu.memory_space<hbm>>
      tpu.enqueue_indirect_dma source(%dma_start3A_457 : memref<100000x128xf32, #tpu.memory_space<hbm>>) target(%dma_start3A_451 : memref<128x128xf32, #tpu.memory_space<vmem>>) offsets(%dma_start3A_454 : memref<128xi32, #tpu.memory_space<vmem>>) semaphore(%arg9 : memref<!tpu.dma_semaphore, #tpu.memory_space<semaphore_mem>>)
      %dma_wait3A_458 = arith.constant 0 : i32
      %dma_wait3A_459 = arith.constant 0 : i32
      %dma_wait3A_460 = arith.constant 0 : i32
      %dma_wait3A_461 = arith.constant 0 : i32
      %dma_wait3A_462 = tpu.memref_slice %arg6[%dma_wait3A_459, %dma_wait3A_460, %dma_wait3A_461] : memref<4x128x128xf32, #tpu.memory_space<vmem>> -> memref<1x128x128xf32, #tpu.memory_space<vmem>>
      %dma_wait3A_463 = tpu.memref_squeeze %dma_wait3A_462 : memref<1x128x128xf32, #tpu.memory_space<vmem>> -> memref<128x128xf32, #tpu.memory_space<vmem>>
      %dma_wait3A_464 = arith.constant 0 : i32
      %dma_wait3A_465 = arith.constant 0 : i32
      %dma_wait3A_466 = tpu.memref_slice %arg4[%dma_wait3A_458, %dma_wait3A_464, %dma_wait3A_465] : memref<6400x128x128xf32, #tpu.memory_space<hbm>> -> memref<1x128x128xf32, #tpu.memory_space<hbm>>
      %dma_wait3A_467 = tpu.memref_squeeze %dma_wait3A_466 : memref<1x128x128xf32, #tpu.memory_space<hbm>> -> memref<128x128xf32, #tpu.memory_space<hbm>>
      %dma_wait3A_468 = arith.constant 0 : i32
      %dma_wait3A_469 = arith.constant 0 : i32
      %dma_wait3A_470 = tpu.memref_slice %arg6[%dma_wait3A_459, %dma_wait3A_468, %dma_wait3A_469] : memref<4x128x128xf32, #tpu.memory_space<vmem>> -> memref<1x128x128xf32, #tpu.memory_space<vmem>>
      %dma_wait3A_471 = tpu.memref_squeeze %dma_wait3A_470 : memref<1x128x128xf32, #tpu.memory_space<vmem>> -> memref<128x128xf32, #tpu.memory_space<vmem>>
      %dma_wait3A_472 = arith.constant 0 : i32
      %dma_wait3A_473 = arith.constant 0 : i32
      %dma_wait3A_474 = tpu.memref_slice %arg4[%dma_wait3A_458, %dma_wait3A_472, %dma_wait3A_473] : memref<6400x128x128xf32, #tpu.memory_space<hbm>> -> memref<1x128x128xf32, #tpu.memory_space<hbm>>
      %dma_wait3A_475 = tpu.memref_squeeze %dma_wait3A_474 : memref<1x128x128xf32, #tpu.memory_space<hbm>> -> memref<128x128xf32, #tpu.memory_space<hbm>>
      tpu.wait_dma2 semaphore(%arg7 : memref<!tpu.dma_semaphore, #tpu.memory_space<semaphore_mem>>) src(%dma_wait3A_475 : memref<128x128xf32, #tpu.memory_space<hbm>>) dst(%dma_wait3A_471 : memref<128x128xf32, #tpu.memory_space<vmem>>)
      %add3A_476 = arith.addi %mul3A_2, %add3A_426 : i32
      %dma_start3A_477 = arith.constant 0 : i32
      %dma_start3A_478 = arith.constant 0 : i32
      %dma_start3A_479 = arith.constant 0 : i32
      %dma_start3A_480 = tpu.memref_slice %arg6[%dma_start3A_477, %dma_start3A_478, %dma_start3A_479] : memref<4x128x128xf32, #tpu.memory_space<vmem>> -> memref<1x128x128xf32, #tpu.memory_space<vmem>>
      %dma_start3A_481 = tpu.memref_squeeze %dma_start3A_480 : memref<1x128x128xf32, #tpu.memory_space<vmem>> -> memref<128x128xf32, #tpu.memory_space<vmem>>
      %dma_start3A_482 = arith.constant 0 : i32
      %dma_start3A_483 = arith.constant 0 : i32
      %dma_start3A_484 = tpu.memref_slice %arg4[%add3A_476, %dma_start3A_482, %dma_start3A_483] : memref<6400x128x128xf32, #tpu.memory_space<hbm>> -> memref<1x128x128xf32, #tpu.memory_space<hbm>>
      %dma_start3A_485 = tpu.memref_squeeze %dma_start3A_484 : memref<1x128x128xf32, #tpu.memory_space<hbm>> -> memref<128x128xf32, #tpu.memory_space<hbm>>
      %dma_start3A_486 = arith.constant 0 : i32
      %dma_start3A_487 = arith.constant 0 : i32
      %dma_start3A_488 = tpu.memref_slice %arg4[%add3A_476, %dma_start3A_486, %dma_start3A_487] : memref<6400x128x128xf32, #tpu.memory_space<hbm>> -> memref<1x128x128xf32, #tpu.memory_space<hbm>>
      %dma_start3A_489 = tpu.memref_squeeze %dma_start3A_488 : memref<1x128x128xf32, #tpu.memory_space<hbm>> -> memref<128x128xf32, #tpu.memory_space<hbm>>
      %dma_start3A_490 = arith.constant 0 : i32
      %dma_start3A_491 = arith.constant 0 : i32
      %dma_start3A_492 = tpu.memref_slice %arg6[%dma_start3A_477, %dma_start3A_490, %dma_start3A_491] : memref<4x128x128xf32, #tpu.memory_space<vmem>> -> memref<1x128x128xf32, #tpu.memory_space<vmem>>
      %dma_start3A_493 = tpu.memref_squeeze %dma_start3A_492 : memref<1x128x128xf32, #tpu.memory_space<vmem>> -> memref<128x128xf32, #tpu.memory_space<vmem>>
      tpu.enqueue_dma source(%dma_start3A_493 : memref<128x128xf32, #tpu.memory_space<vmem>>) target(%dma_start3A_489 : memref<128x128xf32, #tpu.memory_space<hbm>>) target_semaphore(%arg11 : memref<!tpu.dma_semaphore, #tpu.memory_space<semaphore_mem>>)
      %mul3A_494 = arith.constant 4 : i32
      %mul3A_495 = arith.muli %mul3A_494, %scan3A_274 : i32
      %add3A_496 = arith.constant 2 : i32
      %add3A_497 = arith.addi %add3A_496, %mul3A_495 : i32
      %add3A_498 = arith.constant 3 : i32
      %add3A_499 = arith.addi %add3A_497, %add3A_498 : i32
      %dma_wait3A_500 = arith.constant 3 : i32
      %dma_wait3A_501 = arith.constant 0 : i32
      %dma_wait3A_502 = arith.constant 0 : i32
      %dma_wait3A_503 = arith.constant 0 : i32
      %dma_wait3A_504 = tpu.memref_slice %arg6[%dma_wait3A_500, %dma_wait3A_502, %dma_wait3A_503] : memref<4x128x128xf32, #tpu.memory_space<vmem>> -> memref<1x128x128xf32, #tpu.memory_space<vmem>>
      %dma_wait3A_505 = tpu.memref_squeeze %dma_wait3A_504 : memref<1x128x128xf32, #tpu.memory_space<vmem>> -> memref<128x128xf32, #tpu.memory_space<vmem>>
      %dma_wait3A_506 = arith.constant 0 : i32
      %dma_wait3A_507 = arith.constant 0 : i32
      %dma_wait3A_508 = tpu.memref_slice %arg4[%dma_wait3A_501, %dma_wait3A_506, %dma_wait3A_507] : memref<6400x128x128xf32, #tpu.memory_space<hbm>> -> memref<1x128x128xf32, #tpu.memory_space<hbm>>
      %dma_wait3A_509 = tpu.memref_squeeze %dma_wait3A_508 : memref<1x128x128xf32, #tpu.memory_space<hbm>> -> memref<128x128xf32, #tpu.memory_space<hbm>>
      %dma_wait3A_510 = arith.constant 0 : i32
      %dma_wait3A_511 = arith.constant 0 : i32
      %dma_wait3A_512 = tpu.memref_slice %arg4[%dma_wait3A_501, %dma_wait3A_510, %dma_wait3A_511] : memref<6400x128x128xf32, #tpu.memory_space<hbm>> -> memref<1x128x128xf32, #tpu.memory_space<hbm>>
      %dma_wait3A_513 = tpu.memref_squeeze %dma_wait3A_512 : memref<1x128x128xf32, #tpu.memory_space<hbm>> -> memref<128x128xf32, #tpu.memory_space<hbm>>
      %dma_wait3A_514 = arith.constant 0 : i32
      %dma_wait3A_515 = arith.constant 0 : i32
      %dma_wait3A_516 = tpu.memref_slice %arg6[%dma_wait3A_500, %dma_wait3A_514, %dma_wait3A_515] : memref<4x128x128xf32, #tpu.memory_space<vmem>> -> memref<1x128x128xf32, #tpu.memory_space<vmem>>
      %dma_wait3A_517 = tpu.memref_squeeze %dma_wait3A_516 : memref<1x128x128xf32, #tpu.memory_space<vmem>> -> memref<128x128xf32, #tpu.memory_space<vmem>>
      tpu.wait_dma2 semaphore(%arg14 : memref<!tpu.dma_semaphore, #tpu.memory_space<semaphore_mem>>) src(%dma_wait3A_517 : memref<128x128xf32, #tpu.memory_space<vmem>>) dst(%dma_wait3A_513 : memref<128x128xf32, #tpu.memory_space<hbm>>)
      %add3A_518 = arith.constant 2 : i32
      %add3A_519 = arith.addi %add3A_499, %add3A_518 : i32
      %dma_start3A_520 = arith.constant 3 : i32
      %dma_start3A_521 = arith.constant 0 : i32
      %dma_start3A_522 = arith.constant 0 : i32
      %dma_start3A_523 = tpu.memref_slice %arg6[%dma_start3A_520, %dma_start3A_521, %dma_start3A_522] : memref<4x128x128xf32, #tpu.memory_space<vmem>> -> memref<1x128x128xf32, #tpu.memory_space<vmem>>
      %dma_start3A_524 = tpu.memref_squeeze %dma_start3A_523 : memref<1x128x128xf32, #tpu.memory_space<vmem>> -> memref<128x128xf32, #tpu.memory_space<vmem>>
      %dma_start3A_525 = arith.constant 0 : i32
      %dma_start3A_526 = tpu.memref_slice %arg5[%add3A_519, %dma_start3A_525] : memref<200x128xi32, #tpu.memory_space<vmem>> -> memref<1x128xi32, #tpu.memory_space<vmem>>
      %dma_start3A_527 = tpu.memref_squeeze %dma_start3A_526 : memref<1x128xi32, #tpu.memory_space<vmem>> -> memref<128xi32, #tpu.memory_space<vmem>>
      %dma_start3A_528 = arith.constant 0 : i32
      %dma_start3A_529 = arith.constant 0 : i32
      %dma_start3A_530 = tpu.memref_slice %arg3[%dma_start3A_528, %dma_start3A_529] : memref<100000x128xf32, #tpu.memory_space<hbm>> -> memref<100000x128xf32, #tpu.memory_space<hbm>>
      tpu.enqueue_indirect_dma source(%dma_start3A_530 : memref<100000x128xf32, #tpu.memory_space<hbm>>) target(%dma_start3A_524 : memref<128x128xf32, #tpu.memory_space<vmem>>) offsets(%dma_start3A_527 : memref<128xi32, #tpu.memory_space<vmem>>) semaphore(%arg10 : memref<!tpu.dma_semaphore, #tpu.memory_space<semaphore_mem>>)
      %dma_wait3A_531 = arith.constant 0 : i32
      %dma_wait3A_532 = arith.constant 1 : i32
      %dma_wait3A_533 = arith.constant 0 : i32
      %dma_wait3A_534 = arith.constant 0 : i32
      %dma_wait3A_535 = tpu.memref_slice %arg6[%dma_wait3A_532, %dma_wait3A_533, %dma_wait3A_534] : memref<4x128x128xf32, #tpu.memory_space<vmem>> -> memref<1x128x128xf32, #tpu.memory_space<vmem>>
      %dma_wait3A_536 = tpu.memref_squeeze %dma_wait3A_535 : memref<1x128x128xf32, #tpu.memory_space<vmem>> -> memref<128x128xf32, #tpu.memory_space<vmem>>
      %dma_wait3A_537 = arith.constant 0 : i32
      %dma_wait3A_538 = arith.constant 0 : i32
      %dma_wait3A_539 = tpu.memref_slice %arg4[%dma_wait3A_531, %dma_wait3A_537, %dma_wait3A_538] : memref<6400x128x128xf32, #tpu.memory_space<hbm>> -> memref<1x128x128xf32, #tpu.memory_space<hbm>>
      %dma_wait3A_540 = tpu.memref_squeeze %dma_wait3A_539 : memref<1x128x128xf32, #tpu.memory_space<hbm>> -> memref<128x128xf32, #tpu.memory_space<hbm>>
      %dma_wait3A_541 = arith.constant 0 : i32
      %dma_wait3A_542 = arith.constant 0 : i32
      %dma_wait3A_543 = tpu.memref_slice %arg6[%dma_wait3A_532, %dma_wait3A_541, %dma_wait3A_542] : memref<4x128x128xf32, #tpu.memory_space<vmem>> -> memref<1x128x128xf32, #tpu.memory_space<vmem>>
      %dma_wait3A_544 = tpu.memref_squeeze %dma_wait3A_543 : memref<1x128x128xf32, #tpu.memory_space<vmem>> -> memref<128x128xf32, #tpu.memory_space<vmem>>
      %dma_wait3A_545 = arith.constant 0 : i32
      %dma_wait3A_546 = arith.constant 0 : i32
      %dma_wait3A_547 = tpu.memref_slice %arg4[%dma_wait3A_531, %dma_wait3A_545, %dma_wait3A_546] : memref<6400x128x128xf32, #tpu.memory_space<hbm>> -> memref<1x128x128xf32, #tpu.memory_space<hbm>>
      %dma_wait3A_548 = tpu.memref_squeeze %dma_wait3A_547 : memref<1x128x128xf32, #tpu.memory_space<hbm>> -> memref<128x128xf32, #tpu.memory_space<hbm>>
      tpu.wait_dma2 semaphore(%arg8 : memref<!tpu.dma_semaphore, #tpu.memory_space<semaphore_mem>>) src(%dma_wait3A_548 : memref<128x128xf32, #tpu.memory_space<hbm>>) dst(%dma_wait3A_544 : memref<128x128xf32, #tpu.memory_space<vmem>>)
      %add3A_549 = arith.addi %mul3A_2, %add3A_499 : i32
      %dma_start3A_550 = arith.constant 1 : i32
      %dma_start3A_551 = arith.constant 0 : i32
      %dma_start3A_552 = arith.constant 0 : i32
      %dma_start3A_553 = tpu.memref_slice %arg6[%dma_start3A_550, %dma_start3A_551, %dma_start3A_552] : memref<4x128x128xf32, #tpu.memory_space<vmem>> -> memref<1x128x128xf32, #tpu.memory_space<vmem>>
      %dma_start3A_554 = tpu.memref_squeeze %dma_start3A_553 : memref<1x128x128xf32, #tpu.memory_space<vmem>> -> memref<128x128xf32, #tpu.memory_space<vmem>>
      %dma_start3A_555 = arith.constant 0 : i32
      %dma_start3A_556 = arith.constant 0 : i32
      %dma_start3A_557 = tpu.memref_slice %arg4[%add3A_549, %dma_start3A_555, %dma_start3A_556] : memref<6400x128x128xf32, #tpu.memory_space<hbm>> -> memref<1x128x128xf32, #tpu.memory_space<hbm>>
      %dma_start3A_558 = tpu.memref_squeeze %dma_start3A_557 : memref<1x128x128xf32, #tpu.memory_space<hbm>> -> memref<128x128xf32, #tpu.memory_space<hbm>>
      %dma_start3A_559 = arith.constant 0 : i32
      %dma_start3A_560 = arith.constant 0 : i32
      %dma_start3A_561 = tpu.memref_slice %arg4[%add3A_549, %dma_start3A_559, %dma_start3A_560] : memref<6400x128x128xf32, #tpu.memory_space<hbm>> -> memref<1x128x128xf32, #tpu.memory_space<hbm>>
      %dma_start3A_562 = tpu.memref_squeeze %dma_start3A_561 : memref<1x128x128xf32, #tpu.memory_space<hbm>> -> memref<128x128xf32, #tpu.memory_space<hbm>>
      %dma_start3A_563 = arith.constant 0 : i32
      %dma_start3A_564 = arith.constant 0 : i32
      %dma_start3A_565 = tpu.memref_slice %arg6[%dma_start3A_550, %dma_start3A_563, %dma_start3A_564] : memref<4x128x128xf32, #tpu.memory_space<vmem>> -> memref<1x128x128xf32, #tpu.memory_space<vmem>>
      %dma_start3A_566 = tpu.memref_squeeze %dma_start3A_565 : memref<1x128x128xf32, #tpu.memory_space<vmem>> -> memref<128x128xf32, #tpu.memory_space<vmem>>
      tpu.enqueue_dma source(%dma_start3A_566 : memref<128x128xf32, #tpu.memory_space<vmem>>) target(%dma_start3A_562 : memref<128x128xf32, #tpu.memory_space<hbm>>) target_semaphore(%arg12 : memref<!tpu.dma_semaphore, #tpu.memory_space<semaphore_mem>>)
    }
    %scan3A_127 = arith.constant 49 : i32
    %dma_wait3A_128 = arith.constant 0 : i32
    %dma_wait3A_129 = arith.constant 0 : i32
    %dma_wait3A_130 = arith.constant 0 : i32
    %dma_wait3A_131 = arith.constant 0 : i32
    %dma_wait3A_132 = tpu.memref_slice %arg6[%dma_wait3A_128, %dma_wait3A_130, %dma_wait3A_131] : memref<4x128x128xf32, #tpu.memory_space<vmem>> -> memref<1x128x128xf32, #tpu.memory_space<vmem>>
    %dma_wait3A_133 = tpu.memref_squeeze %dma_wait3A_132 : memref<1x128x128xf32, #tpu.memory_space<vmem>> -> memref<128x128xf32, #tpu.memory_space<vmem>>
    %dma_wait3A_134 = arith.constant 0 : i32
    %dma_wait3A_135 = arith.constant 0 : i32
    %dma_wait3A_136 = tpu.memref_slice %arg4[%dma_wait3A_129, %dma_wait3A_134, %dma_wait3A_135] : memref<6400x128x128xf32, #tpu.memory_space<hbm>> -> memref<1x128x128xf32, #tpu.memory_space<hbm>>
    %dma_wait3A_137 = tpu.memref_squeeze %dma_wait3A_136 : memref<1x128x128xf32, #tpu.memory_space<hbm>> -> memref<128x128xf32, #tpu.memory_space<hbm>>
    %dma_wait3A_138 = arith.constant 0 : i32
    %dma_wait3A_139 = arith.constant 0 : i32
    %dma_wait3A_140 = tpu.memref_slice %arg4[%dma_wait3A_129, %dma_wait3A_138, %dma_wait3A_139] : memref<6400x128x128xf32, #tpu.memory_space<hbm>> -> memref<1x128x128xf32, #tpu.memory_space<hbm>>
    %dma_wait3A_141 = tpu.memref_squeeze %dma_wait3A_140 : memref<1x128x128xf32, #tpu.memory_space<hbm>> -> memref<128x128xf32, #tpu.memory_space<hbm>>
    %dma_wait3A_142 = arith.constant 0 : i32
    %dma_wait3A_143 = arith.constant 0 : i32
    %dma_wait3A_144 = tpu.memref_slice %arg6[%dma_wait3A_128, %dma_wait3A_142, %dma_wait3A_143] : memref<4x128x128xf32, #tpu.memory_space<vmem>> -> memref<1x128x128xf32, #tpu.memory_space<vmem>>
    %dma_wait3A_145 = tpu.memref_squeeze %dma_wait3A_144 : memref<1x128x128xf32, #tpu.memory_space<vmem>> -> memref<128x128xf32, #tpu.memory_space<vmem>>
    tpu.wait_dma2 semaphore(%arg11 : memref<!tpu.dma_semaphore, #tpu.memory_space<semaphore_mem>>) src(%dma_wait3A_145 : memref<128x128xf32, #tpu.memory_space<vmem>>) dst(%dma_wait3A_141 : memref<128x128xf32, #tpu.memory_space<hbm>>)
    %dma_wait3A_146 = arith.constant 0 : i32
    %dma_wait3A_147 = arith.constant 2 : i32
    %dma_wait3A_148 = arith.constant 0 : i32
    %dma_wait3A_149 = arith.constant 0 : i32
    %dma_wait3A_150 = tpu.memref_slice %arg6[%dma_wait3A_147, %dma_wait3A_148, %dma_wait3A_149] : memref<4x128x128xf32, #tpu.memory_space<vmem>> -> memref<1x128x128xf32, #tpu.memory_space<vmem>>
    %dma_wait3A_151 = tpu.memref_squeeze %dma_wait3A_150 : memref<1x128x128xf32, #tpu.memory_space<vmem>> -> memref<128x128xf32, #tpu.memory_space<vmem>>
    %dma_wait3A_152 = arith.constant 0 : i32
    %dma_wait3A_153 = arith.constant 0 : i32
    %dma_wait3A_154 = tpu.memref_slice %arg4[%dma_wait3A_146, %dma_wait3A_152, %dma_wait3A_153] : memref<6400x128x128xf32, #tpu.memory_space<hbm>> -> memref<1x128x128xf32, #tpu.memory_space<hbm>>
    %dma_wait3A_155 = tpu.memref_squeeze %dma_wait3A_154 : memref<1x128x128xf32, #tpu.memory_space<hbm>> -> memref<128x128xf32, #tpu.memory_space<hbm>>
    %dma_wait3A_156 = arith.constant 0 : i32
    %dma_wait3A_157 = arith.constant 0 : i32
    %dma_wait3A_158 = tpu.memref_slice %arg6[%dma_wait3A_147, %dma_wait3A_156, %dma_wait3A_157] : memref<4x128x128xf32, #tpu.memory_space<vmem>> -> memref<1x128x128xf32, #tpu.memory_space<vmem>>
    %dma_wait3A_159 = tpu.memref_squeeze %dma_wait3A_158 : memref<1x128x128xf32, #tpu.memory_space<vmem>> -> memref<128x128xf32, #tpu.memory_space<vmem>>
    %dma_wait3A_160 = arith.constant 0 : i32
    %dma_wait3A_161 = arith.constant 0 : i32
    %dma_wait3A_162 = tpu.memref_slice %arg4[%dma_wait3A_146, %dma_wait3A_160, %dma_wait3A_161] : memref<6400x128x128xf32, #tpu.memory_space<hbm>> -> memref<1x128x128xf32, #tpu.memory_space<hbm>>
    %dma_wait3A_163 = tpu.memref_squeeze %dma_wait3A_162 : memref<1x128x128xf32, #tpu.memory_space<hbm>> -> memref<128x128xf32, #tpu.memory_space<hbm>>
    tpu.wait_dma2 semaphore(%arg9 : memref<!tpu.dma_semaphore, #tpu.memory_space<semaphore_mem>>) src(%dma_wait3A_163 : memref<128x128xf32, #tpu.memory_space<hbm>>) dst(%dma_wait3A_159 : memref<128x128xf32, #tpu.memory_space<vmem>>)
    %add3A_164 = arith.constant 198 : i32
    %add3A_165 = arith.addi %mul3A_2, %add3A_164 : i32
    %dma_start3A_166 = arith.constant 2 : i32
    %dma_start3A_167 = arith.constant 0 : i32
    %dma_start3A_168 = arith.constant 0 : i32
    %dma_start3A_169 = tpu.memref_slice %arg6[%dma_start3A_166, %dma_start3A_167, %dma_start3A_168] : memref<4x128x128xf32, #tpu.memory_space<vmem>> -> memref<1x128x128xf32, #tpu.memory_space<vmem>>
    %dma_start3A_170 = tpu.memref_squeeze %dma_start3A_169 : memref<1x128x128xf32, #tpu.memory_space<vmem>> -> memref<128x128xf32, #tpu.memory_space<vmem>>
    %dma_start3A_171 = arith.constant 0 : i32
    %dma_start3A_172 = arith.constant 0 : i32
    %dma_start3A_173 = tpu.memref_slice %arg4[%add3A_165, %dma_start3A_171, %dma_start3A_172] : memref<6400x128x128xf32, #tpu.memory_space<hbm>> -> memref<1x128x128xf32, #tpu.memory_space<hbm>>
    %dma_start3A_174 = tpu.memref_squeeze %dma_start3A_173 : memref<1x128x128xf32, #tpu.memory_space<hbm>> -> memref<128x128xf32, #tpu.memory_space<hbm>>
    %dma_start3A_175 = arith.constant 0 : i32
    %dma_start3A_176 = arith.constant 0 : i32
    %dma_start3A_177 = tpu.memref_slice %arg4[%add3A_165, %dma_start3A_175, %dma_start3A_176] : memref<6400x128x128xf32, #tpu.memory_space<hbm>> -> memref<1x128x128xf32, #tpu.memory_space<hbm>>
    %dma_start3A_178 = tpu.memref_squeeze %dma_start3A_177 : memref<1x128x128xf32, #tpu.memory_space<hbm>> -> memref<128x128xf32, #tpu.memory_space<hbm>>
    %dma_start3A_179 = arith.constant 0 : i32
    %dma_start3A_180 = arith.constant 0 : i32
    %dma_start3A_181 = tpu.memref_slice %arg6[%dma_start3A_166, %dma_start3A_179, %dma_start3A_180] : memref<4x128x128xf32, #tpu.memory_space<vmem>> -> memref<1x128x128xf32, #tpu.memory_space<vmem>>
    %dma_start3A_182 = tpu.memref_squeeze %dma_start3A_181 : memref<1x128x128xf32, #tpu.memory_space<vmem>> -> memref<128x128xf32, #tpu.memory_space<vmem>>
    tpu.enqueue_dma source(%dma_start3A_182 : memref<128x128xf32, #tpu.memory_space<vmem>>) target(%dma_start3A_178 : memref<128x128xf32, #tpu.memory_space<hbm>>) target_semaphore(%arg13 : memref<!tpu.dma_semaphore, #tpu.memory_space<semaphore_mem>>)
    %dma_wait3A_183 = arith.constant 1 : i32
    %dma_wait3A_184 = arith.constant 0 : i32
    %dma_wait3A_185 = arith.constant 0 : i32
    %dma_wait3A_186 = arith.constant 0 : i32
    %dma_wait3A_187 = tpu.memref_slice %arg6[%dma_wait3A_183, %dma_wait3A_185, %dma_wait3A_186] : memref<4x128x128xf32, #tpu.memory_space<vmem>> -> memref<1x128x128xf32, #tpu.memory_space<vmem>>
    %dma_wait3A_188 = tpu.memref_squeeze %dma_wait3A_187 : memref<1x128x128xf32, #tpu.memory_space<vmem>> -> memref<128x128xf32, #tpu.memory_space<vmem>>
    %dma_wait3A_189 = arith.constant 0 : i32
    %dma_wait3A_190 = arith.constant 0 : i32
    %dma_wait3A_191 = tpu.memref_slice %arg4[%dma_wait3A_184, %dma_wait3A_189, %dma_wait3A_190] : memref<6400x128x128xf32, #tpu.memory_space<hbm>> -> memref<1x128x128xf32, #tpu.memory_space<hbm>>
    %dma_wait3A_192 = tpu.memref_squeeze %dma_wait3A_191 : memref<1x128x128xf32, #tpu.memory_space<hbm>> -> memref<128x128xf32, #tpu.memory_space<hbm>>
    %dma_wait3A_193 = arith.constant 0 : i32
    %dma_wait3A_194 = arith.constant 0 : i32
    %dma_wait3A_195 = tpu.memref_slice %arg4[%dma_wait3A_184, %dma_wait3A_193, %dma_wait3A_194] : memref<6400x128x128xf32, #tpu.memory_space<hbm>> -> memref<1x128x128xf32, #tpu.memory_space<hbm>>
    %dma_wait3A_196 = tpu.memref_squeeze %dma_wait3A_195 : memref<1x128x128xf32, #tpu.memory_space<hbm>> -> memref<128x128xf32, #tpu.memory_space<hbm>>
    %dma_wait3A_197 = arith.constant 0 : i32
    %dma_wait3A_198 = arith.constant 0 : i32
    %dma_wait3A_199 = tpu.memref_slice %arg6[%dma_wait3A_183, %dma_wait3A_197, %dma_wait3A_198] : memref<4x128x128xf32, #tpu.memory_space<vmem>> -> memref<1x128x128xf32, #tpu.memory_space<vmem>>
    %dma_wait3A_200 = tpu.memref_squeeze %dma_wait3A_199 : memref<1x128x128xf32, #tpu.memory_space<vmem>> -> memref<128x128xf32, #tpu.memory_space<vmem>>
    tpu.wait_dma2 semaphore(%arg12 : memref<!tpu.dma_semaphore, #tpu.memory_space<semaphore_mem>>) src(%dma_wait3A_200 : memref<128x128xf32, #tpu.memory_space<vmem>>) dst(%dma_wait3A_196 : memref<128x128xf32, #tpu.memory_space<hbm>>)
    %dma_wait3A_201 = arith.constant 0 : i32
    %dma_wait3A_202 = arith.constant 3 : i32
    %dma_wait3A_203 = arith.constant 0 : i32
    %dma_wait3A_204 = arith.constant 0 : i32
    %dma_wait3A_205 = tpu.memref_slice %arg6[%dma_wait3A_202, %dma_wait3A_203, %dma_wait3A_204] : memref<4x128x128xf32, #tpu.memory_space<vmem>> -> memref<1x128x128xf32, #tpu.memory_space<vmem>>
    %dma_wait3A_206 = tpu.memref_squeeze %dma_wait3A_205 : memref<1x128x128xf32, #tpu.memory_space<vmem>> -> memref<128x128xf32, #tpu.memory_space<vmem>>
    %dma_wait3A_207 = arith.constant 0 : i32
    %dma_wait3A_208 = arith.constant 0 : i32
    %dma_wait3A_209 = tpu.memref_slice %arg4[%dma_wait3A_201, %dma_wait3A_207, %dma_wait3A_208] : memref<6400x128x128xf32, #tpu.memory_space<hbm>> -> memref<1x128x128xf32, #tpu.memory_space<hbm>>
    %dma_wait3A_210 = tpu.memref_squeeze %dma_wait3A_209 : memref<1x128x128xf32, #tpu.memory_space<hbm>> -> memref<128x128xf32, #tpu.memory_space<hbm>>
    %dma_wait3A_211 = arith.constant 0 : i32
    %dma_wait3A_212 = arith.constant 0 : i32
    %dma_wait3A_213 = tpu.memref_slice %arg6[%dma_wait3A_202, %dma_wait3A_211, %dma_wait3A_212] : memref<4x128x128xf32, #tpu.memory_space<vmem>> -> memref<1x128x128xf32, #tpu.memory_space<vmem>>
    %dma_wait3A_214 = tpu.memref_squeeze %dma_wait3A_213 : memref<1x128x128xf32, #tpu.memory_space<vmem>> -> memref<128x128xf32, #tpu.memory_space<vmem>>
    %dma_wait3A_215 = arith.constant 0 : i32
    %dma_wait3A_216 = arith.constant 0 : i32
    %dma_wait3A_217 = tpu.memref_slice %arg4[%dma_wait3A_201, %dma_wait3A_215, %dma_wait3A_216] : memref<6400x128x128xf32, #tpu.memory_space<hbm>> -> memref<1x128x128xf32, #tpu.memory_space<hbm>>
    %dma_wait3A_218 = tpu.memref_squeeze %dma_wait3A_217 : memref<1x128x128xf32, #tpu.memory_space<hbm>> -> memref<128x128xf32, #tpu.memory_space<hbm>>
    tpu.wait_dma2 semaphore(%arg10 : memref<!tpu.dma_semaphore, #tpu.memory_space<semaphore_mem>>) src(%dma_wait3A_218 : memref<128x128xf32, #tpu.memory_space<hbm>>) dst(%dma_wait3A_214 : memref<128x128xf32, #tpu.memory_space<vmem>>)
    %add3A_219 = arith.constant 199 : i32
    %add3A_220 = arith.addi %mul3A_2, %add3A_219 : i32
    %dma_start3A_221 = arith.constant 3 : i32
    %dma_start3A_222 = arith.constant 0 : i32
    %dma_start3A_223 = arith.constant 0 : i32
    %dma_start3A_224 = tpu.memref_slice %arg6[%dma_start3A_221, %dma_start3A_222, %dma_start3A_223] : memref<4x128x128xf32, #tpu.memory_space<vmem>> -> memref<1x128x128xf32, #tpu.memory_space<vmem>>
    %dma_start3A_225 = tpu.memref_squeeze %dma_start3A_224 : memref<1x128x128xf32, #tpu.memory_space<vmem>> -> memref<128x128xf32, #tpu.memory_space<vmem>>
    %dma_start3A_226 = arith.constant 0 : i32
    %dma_start3A_227 = arith.constant 0 : i32
    %dma_start3A_228 = tpu.memref_slice %arg4[%add3A_220, %dma_start3A_226, %dma_start3A_227] : memref<6400x128x128xf32, #tpu.memory_space<hbm>> -> memref<1x128x128xf32, #tpu.memory_space<hbm>>
    %dma_start3A_229 = tpu.memref_squeeze %dma_start3A_228 : memref<1x128x128xf32, #tpu.memory_space<hbm>> -> memref<128x128xf32, #tpu.memory_space<hbm>>
    %dma_start3A_230 = arith.constant 0 : i32
    %dma_start3A_231 = arith.constant 0 : i32
    %dma_start3A_232 = tpu.memref_slice %arg4[%add3A_220, %dma_start3A_230, %dma_start3A_231] : memref<6400x128x128xf32, #tpu.memory_space<hbm>> -> memref<1x128x128xf32, #tpu.memory_space<hbm>>
    %dma_start3A_233 = tpu.memref_squeeze %dma_start3A_232 : memref<1x128x128xf32, #tpu.memory_space<hbm>> -> memref<128x128xf32, #tpu.memory_space<hbm>>
    %dma_start3A_234 = arith.constant 0 : i32
    %dma_start3A_235 = arith.constant 0 : i32
    %dma_start3A_236 = tpu.memref_slice %arg6[%dma_start3A_221, %dma_start3A_234, %dma_start3A_235] : memref<4x128x128xf32, #tpu.memory_space<vmem>> -> memref<1x128x128xf32, #tpu.memory_space<vmem>>
    %dma_start3A_237 = tpu.memref_squeeze %dma_start3A_236 : memref<1x128x128xf32, #tpu.memory_space<vmem>> -> memref<128x128xf32, #tpu.memory_space<vmem>>
    tpu.enqueue_dma source(%dma_start3A_237 : memref<128x128xf32, #tpu.memory_space<vmem>>) target(%dma_start3A_233 : memref<128x128xf32, #tpu.memory_space<hbm>>) target_semaphore(%arg14 : memref<!tpu.dma_semaphore, #tpu.memory_space<semaphore_mem>>)
    %dma_wait3A_238 = arith.constant 2 : i32
    %dma_wait3A_239 = arith.constant 0 : i32
    %dma_wait3A_240 = arith.constant 0 : i32
    %dma_wait3A_241 = arith.constant 0 : i32
    %dma_wait3A_242 = tpu.memref_slice %arg6[%dma_wait3A_238, %dma_wait3A_240, %dma_wait3A_241] : memref<4x128x128xf32, #tpu.memory_space<vmem>> -> memref<1x128x128xf32, #tpu.memory_space<vmem>>
    %dma_wait3A_243 = tpu.memref_squeeze %dma_wait3A_242 : memref<1x128x128xf32, #tpu.memory_space<vmem>> -> memref<128x128xf32, #tpu.memory_space<vmem>>
    %dma_wait3A_244 = arith.constant 0 : i32
    %dma_wait3A_245 = arith.constant 0 : i32
    %dma_wait3A_246 = tpu.memref_slice %arg4[%dma_wait3A_239, %dma_wait3A_244, %dma_wait3A_245] : memref<6400x128x128xf32, #tpu.memory_space<hbm>> -> memref<1x128x128xf32, #tpu.memory_space<hbm>>
    %dma_wait3A_247 = tpu.memref_squeeze %dma_wait3A_246 : memref<1x128x128xf32, #tpu.memory_space<hbm>> -> memref<128x128xf32, #tpu.memory_space<hbm>>
    %dma_wait3A_248 = arith.constant 0 : i32
    %dma_wait3A_249 = arith.constant 0 : i32
    %dma_wait3A_250 = tpu.memref_slice %arg4[%dma_wait3A_239, %dma_wait3A_248, %dma_wait3A_249] : memref<6400x128x128xf32, #tpu.memory_space<hbm>> -> memref<1x128x128xf32, #tpu.memory_space<hbm>>
    %dma_wait3A_251 = tpu.memref_squeeze %dma_wait3A_250 : memref<1x128x128xf32, #tpu.memory_space<hbm>> -> memref<128x128xf32, #tpu.memory_space<hbm>>
    %dma_wait3A_252 = arith.constant 0 : i32
    %dma_wait3A_253 = arith.constant 0 : i32
    %dma_wait3A_254 = tpu.memref_slice %arg6[%dma_wait3A_238, %dma_wait3A_252, %dma_wait3A_253] : memref<4x128x128xf32, #tpu.memory_space<vmem>> -> memref<1x128x128xf32, #tpu.memory_space<vmem>>
    %dma_wait3A_255 = tpu.memref_squeeze %dma_wait3A_254 : memref<1x128x128xf32, #tpu.memory_space<vmem>> -> memref<128x128xf32, #tpu.memory_space<vmem>>
    tpu.wait_dma2 semaphore(%arg13 : memref<!tpu.dma_semaphore, #tpu.memory_space<semaphore_mem>>) src(%dma_wait3A_255 : memref<128x128xf32, #tpu.memory_space<vmem>>) dst(%dma_wait3A_251 : memref<128x128xf32, #tpu.memory_space<hbm>>)
    %dma_wait3A_256 = arith.constant 3 : i32
    %dma_wait3A_257 = arith.constant 0 : i32
    %dma_wait3A_258 = arith.constant 0 : i32
    %dma_wait3A_259 = arith.constant 0 : i32
    %dma_wait3A_260 = tpu.memref_slice %arg6[%dma_wait3A_256, %dma_wait3A_258, %dma_wait3A_259] : memref<4x128x128xf32, #tpu.memory_space<vmem>> -> memref<1x128x128xf32, #tpu.memory_space<vmem>>
    %dma_wait3A_261 = tpu.memref_squeeze %dma_wait3A_260 : memref<1x128x128xf32, #tpu.memory_space<vmem>> -> memref<128x128xf32, #tpu.memory_space<vmem>>
    %dma_wait3A_262 = arith.constant 0 : i32
    %dma_wait3A_263 = arith.constant 0 : i32
    %dma_wait3A_264 = tpu.memref_slice %arg4[%dma_wait3A_257, %dma_wait3A_262, %dma_wait3A_263] : memref<6400x128x128xf32, #tpu.memory_space<hbm>> -> memref<1x128x128xf32, #tpu.memory_space<hbm>>
    %dma_wait3A_265 = tpu.memref_squeeze %dma_wait3A_264 : memref<1x128x128xf32, #tpu.memory_space<hbm>> -> memref<128x128xf32, #tpu.memory_space<hbm>>
    %dma_wait3A_266 = arith.constant 0 : i32
    %dma_wait3A_267 = arith.constant 0 : i32
    %dma_wait3A_268 = tpu.memref_slice %arg4[%dma_wait3A_257, %dma_wait3A_266, %dma_wait3A_267] : memref<6400x128x128xf32, #tpu.memory_space<hbm>> -> memref<1x128x128xf32, #tpu.memory_space<hbm>>
    %dma_wait3A_269 = tpu.memref_squeeze %dma_wait3A_268 : memref<1x128x128xf32, #tpu.memory_space<hbm>> -> memref<128x128xf32, #tpu.memory_space<hbm>>
    %dma_wait3A_270 = arith.constant 0 : i32
    %dma_wait3A_271 = arith.constant 0 : i32
    %dma_wait3A_272 = tpu.memref_slice %arg6[%dma_wait3A_256, %dma_wait3A_270, %dma_wait3A_271] : memref<4x128x128xf32, #tpu.memory_space<vmem>> -> memref<1x128x128xf32, #tpu.memory_space<vmem>>
    %dma_wait3A_273 = tpu.memref_squeeze %dma_wait3A_272 : memref<1x128x128xf32, #tpu.memory_space<vmem>> -> memref<128x128xf32, #tpu.memory_space<vmem>>
    tpu.wait_dma2 semaphore(%arg14 : memref<!tpu.dma_semaphore, #tpu.memory_space<semaphore_mem>>) src(%dma_wait3A_273 : memref<128x128xf32, #tpu.memory_space<vmem>>) dst(%dma_wait3A_269 : memref<128x128xf32, #tpu.memory_space<hbm>>)
    return
  }
}

</mosaic_0001>

<sc_bundles>
// kernel: kernel.3.cloned.1.call-start
scs
__scs_entry_jumppad:
0x0: {  	(pc) =	sbr.rel $0x88, $3  }
0x1: {  	(tag) =	ssettag $0x0;
	lr =	simm.s32 $0x1  }
0x2: {  	[smem:$0x3F9F] =	sst lr;
	_ =	strace $0xD0000000  }
0x3: {  	_ = 	snop  }
0x4: {  	_ = 	snop  }
0x5: {  	_ = 	snop  }
0x6: {  	_ = 	snop  }
0x7: {  	_ = 	snop  }
__scs_overlays_trampoline_lowered:
0x8: {  	[smem:$0x3FAE] =	sst s0  }
0x9: {  	[smem:$0x3FAF] =	sst s1  }
0xa: {  	[smem:$0x3FB0] =	sst s2  }
0xb: {  	[smem:$0x3FB1] =	sst s3  }
0xc: {  	[smem:$0x3FB2] =	sst s4  }
0xd: {  	[smem:$0x3FB3] =	sst s5  }
0xe: {  	[smem:$0x3FB4] =	sst s6  }
0xf: {  	[smem:$0x3FB5] =	sst s7  }
0x10: {  	[smem:$0x3FB6] =	sst s8  }
0x11: {  	[smem:$0x3FB7] =	sst s9;
	s0 =	simm.s32 @!p0 $0x0  }
0x12: {  	s1 =	sld [smem:$0x3F9D];
	s0 =	simm.s32 @p0 $0x1  }
0x13: {  	[smem:$0x3FB8] =	sst s0;
	s0 =	simm.s32 @!p1 $0x0  }
0x14: {  	s2 =	sld [smem:$0x3F9C];
	s0 =	simm.s32 @p1 $0x1  }
0x15: {  	[smem:$0x3FB9] =	sst s0;
	s0 =	simm.s32 @!p2 $0x0  }
0x16: {  	s3 =	sld [smem:$0x3FDB];
	s0 =	simm.s32 @p2 $0x1  }
0x17: {  	s4 =	simm.s32 $0x1BF5;
	[smem:$0x3FBB] =	sst s0  }
0x18: {  	s0 =	sld [smem:$0x3F9E];
	_ =	swait.ge [sflag:s4], $0x0  }
0x19: {  	s7 =	sld [smem:$0x3F9F]  }
0x1a: {  	s8 =	sadd.s32 $0xFFFFE003, lr  }
0x1b: {  	s9 =	sadd.s32 $0xFFFFFEF7, lr;
	s5 =	simm.s32 $0xFFFFFFFF;
	p2 =	slt.u32 s8, $0xFFFFF086  }
0x1c: {  	p1 =	slt.u32 s9, $0xF7A;
	s5 =	simm.s32 @!p2 $0x0  }
0x1d: {  	s5 =	simm.s32 @p1 $0x1;
	p0 =	seq.s32 s7, s2  }
0x1e: {  	s7 =	smul.u32 @!p0 $0xF7A, s2;
	p2 =	seq.s32 @!p0 s5, $0x0  }
0x1f: {  	s9 =	smul.u32 $0xF7A, s1;
	s8 =	simm.s32 @!p0 $0x1BF5;
	p2 =	por !p2, p0  }
0x20: {  	[sflag:s8] =	ssyncset.s32 @!p0 $0xFFFFF086;
	s6 =	sadd.s32 @!p0 s3, s7;
	s7 =	simm.s32 @!p0 $0x108  }
0x21: {  	s3 =	sadd.s32 s3, s9;
	s6 =	sadd.s32 @!p0 $0x88, s6;
	s7 =	simm.s32 @p2 $0x1082  }
0x22: {  	[simem:s7], [sflag:s8] =	dma.local @!p0 [hbm:s6], $0xF7A  }
0x23: {  	s9 =	sor.u32 $0xD0000000, s2;
	s6 =	simm.s32 $0x108;
	_ =	swait.ge @!p0 [sflag:s8], $0x0  }
0x24: {  	s3 =	sadd.s32 $0x88, s3;
	s6 =	simm.s32 @!p1 $0x1082;
	[sflag:s4] =	ssyncset.s32 $0xFFFFF086  }
0x25: {  	[simem:s6], [sflag:s4] =	dma.local [hbm:s3], $0xF7A  }
0x26: {  	[smem:$0x3F9F] =	sst s1;
	(tag) =	ssettag s2;
	_ =	strace s9  }
0x27: {  	s1 =	sld [smem:$0x3FAF]  }
0x28: {  	s2 =	sld [smem:$0x3FB0]  }
0x29: {  	s4 =	sld [smem:$0x3FB2]  }
0x2a: {  	p0 =	seq.s32 s5, $0x0;
	s5 =	sld [smem:$0x3FB3]  }
0x2b: {  	s6 =	sld [smem:$0x3FB4]  }
0x2c: {  	s7 =	sld [smem:$0x3FB5]  }
0x2d: {  	s3 =	simm.s32 $0x108;
	s8 =	sld [smem:$0x3FB6]  }
0x2e: {  	s3 =	simm.s32 @!p0 $0x1082;
	s9 =	sld [smem:$0x3FB7]  }
0x2f: {  	lr =	sadd.s32 s0, s3;
	s0 =	sld [smem:$0x3FAE]  }
0x30: {  	s3 =	sld [smem:$0x3FB1]  }
0x31: {  	[smem:$0x3FBA] =	sst s10  }
0x32: {  	s10 =	sld [smem:$0x3FB8];
	_ =	sdelay $0x3  }
0x33: {  	p0 =	seq.s32 s10, $0x1;
	s10 =	sld [smem:$0x3FBA];
	_ =	sdelay $0x3  }
0x34: {  	[smem:$0x3FBA] =	sst s10  }
0x35: {  	s10 =	sld [smem:$0x3FB9];
	_ =	sdelay $0x3  }
0x36: {  	p1 =	seq.s32 s10, $0x1;
	s10 =	sld [smem:$0x3FBA];
	_ =	sdelay $0x3  }
0x37: {  	[smem:$0x3FBA] =	sst s10  }
0x38: {  	s10 =	sld [smem:$0x3FBB]  }
0x39: {  	_ = 	snop;
	(pc) =	sbr.ind lr, $3  }
0x3a: {  	_ = 	snop  }
0x3b: {  	_ = 	snop  }
0x3c: {  	p2 =	seq.s32 s10, $0x1;
	s10 =	sld [smem:$0x3FBA]  }
0x3d: {  	_ =	shalt  }
0x3e: {  	_ =	shalt  }
0x3f: {  	_ =	shalt  }
0x40: {  	_ =	shalt  }
0x41: {  	_ =	shalt  }
0x42: {  	_ =	shalt  }
0x43: {  	_ =	shalt  }
0x44: {  	_ =	shalt  }
0x45: {  	_ =	shalt  }
0x46: {  	_ =	shalt  }
0x47: {  	_ =	shalt  }
0x48: {  	_ =	shalt  }
0x49: {  	_ =	shalt  }
0x4a: {  	_ =	shalt  }
0x4b: {  	_ =	shalt  }
0x4c: {  	_ =	shalt  }
0x4d: {  	_ =	shalt  }
0x4e: {  	_ =	shalt  }
0x4f: {  	_ =	shalt  }
0x50: {  	_ =	shalt  }
0x51: {  	_ =	shalt  }
0x52: {  	_ =	shalt  }
0x53: {  	_ =	shalt  }
0x54: {  	_ =	shalt  }
0x55: {  	_ =	shalt  }
0x56: {  	_ =	shalt  }
0x57: {  	_ =	shalt  }
0x58: {  	_ =	shalt  }
0x59: {  	_ =	shalt  }
0x5a: {  	_ =	shalt  }
0x5b: {  	_ =	shalt  }
0x5c: {  	_ =	shalt  }
0x5d: {  	_ =	shalt  }
0x5e: {  	_ =	shalt  }
0x5f: {  	_ =	shalt  }
0x60: {  	_ =	shalt  }
0x61: {  	_ =	shalt  }
0x62: {  	_ =	shalt  }
0x63: {  	_ =	shalt  }
0x64: {  	_ =	shalt  }
0x65: {  	_ =	shalt  }
0x66: {  	_ =	shalt  }
0x67: {  	_ =	shalt  }
0x68: {  	_ =	shalt  }
0x69: {  	_ =	shalt  }
0x6a: {  	_ =	shalt  }
0x6b: {  	_ =	shalt  }
0x6c: {  	_ =	shalt  }
0x6d: {  	_ =	shalt  }
0x6e: {  	_ =	shalt  }
0x6f: {  	_ =	shalt  }
0x70: {  	_ =	shalt  }
0x71: {  	_ =	shalt  }
0x72: {  	_ =	shalt  }
0x73: {  	_ =	shalt  }
0x74: {  	_ =	shalt  }
0x75: {  	_ =	shalt  }
0x76: {  	_ =	shalt  }
0x77: {  	_ =	shalt  }
0x78: {  	_ =	shalt  }
0x79: {  	_ =	shalt  }
0x7a: {  	_ =	shalt  }
0x7b: {  	_ =	shalt  }
0x7c: {  	_ =	shalt  }
0x7d: {  	_ =	shalt  }
0x7e: {  	_ =	shalt  }
0x7f: {  	_ =	shalt  }
0x80: {  	_ =	shalt  }
0x81: {  	_ =	shalt  }
0x82: {  	_ =	shalt  }
0x83: {  	_ =	shalt  }
0x84: {  	_ =	shalt  }
0x85: {  	_ =	shalt  }
0x86: {  	_ =	shalt  }
0x87: {  	_ =	shalt  }
.Lfunc_end0:
.L_simem_size_0:
called_computation_lowered:
.L_overlay_start_0:
0x88: {  	s2 =	sld [smem:$0x3FD9]  }
0x89: {  	s3 =	sld [smem:$0x3FFE];
	_ =	sdelay $0x1  }
0x8a: {  	s1 =	srdreg.scid  }
0x8b: {  	s0 =	sand.u32 $0x1, s1  }
0x8c: {  	s17 =	sshll.u32 s0, $0xA;
	s2 =	sadd.s32 s3, s2  }
0x8d: {  	s2 =	sadd.s32 s2, s17  }
0x8e: {  	[smem:$0x3FC6] =	sst s2  }
0x8f: {  	_ = 	snop  }
0x90: {  	s2 =	sld [smem:$0x3FC8]  }
0x91: {  	s18 =	sld [smem:$0x3FD0];
	(tm) =	ssettm $0x1  }
0x92: {  	s4 =	sld [smem:$0x3FFB];
	_ =	sdelay $0x3  }
0x93: {  	_ =	strace s4  }
0x94: {  	s4 =	sld [smem:$0x3FFC];
	_ =	sdelay $0x3  }
0x95: {  	_ =	strace s4  }
0x96: {  	s4 =	sld [smem:$0x3FFD];
	_ =	sdelay $0x3  }
0x97: {  	_ =	strace s4  }
0x98: {  	_ =	strace $0x8FFFFFFF  }
0x99: {  	s19 =	sld [smem:$0x3FDB];
	_ =	sdelay $0x1  }
0x9a: {  	s5 =	simm.s32 $_scs_section_size  }
0x9b: {  	s6 =	simm.s32 $_size__tile_overlayer_lowered;
	s7 =	simm.s32 $_tile_overlayer_lowered  }
0x9c: {  	s22 =	simm.s32 $0x1BFF;
	s21 =	sshll.u32 s7, $0x1;
	s4 =	sadd.s32 s5, s19  }
0x9d: {  	s8 =	simm.s32 $0x0;
	s20 =	sshll.u32 s6, $0x1;
	s6 =	sadd.s32 s21, s4  }
0x9e: {  	[timem:s8], [sflag:s22] =	dma.local [hbm:s6], s20  }
0x9f: {  	_ =	swait.ge [sflag:s22], s20  }
0xa0: {  	s5 =	ssub.s32 $0x0, s20;
	[sflag:s22] =	ssyncset.done $0x0  }
0xa1: {  	[sflag:s22] =	ssyncadd.s32 s5;
	_ =	sdelay $0x1  }
0xa2: {  	s23 =	simm.s32 $0x1B8B  }
0xa3: {  	_ =	swait.ge [sflag:s23], $0x1  }
0xa4: {  	[sflag:s23] =	ssyncset.done $0x0  }
0xa5: {  	s25 =	simm.s32 $0x1B8E;
	s24 =	sld [smem:$0x3FFE];
	[sflag:s23] =	ssyncadd.s32 $0xFFFFFFFF  }
0xa6: {  	s26 =	simm.s32 $execute0_lowered;
	[smem:$0x3FD2] =	sst s25  }
0xa7: {  	s6 =	sshll.u32 s26, $0x1;
	_ =	strace $0x80000046;
	[dreg:$0x1] =	wrdreg $0xFFFFFFFF  }
0xa8: {  	s28 =	simm.s32 $_size_execute0_lowered;
	s4 =	sadd.s32 s4, s6;
	[dreg:$0x0] =	wrdreg $0x0  }
0xa9: {  	s6 =	sshll.u32 s28, $0x1;
	[dreg:$0x2] =	wrdreg s4  }
0xaa: {  	[dreg:$0x3] =	wrdreg s6  }
0xab: {  	[dreg:$0x4] =	wrdreg $0xC0  }
0xac: {  	_ =	task [dreg:s8], $0x5FFFF  }
0xad: {  	[dreg:$0x1] =	wrdreg $0xFFFFFFFF  }
0xae: {  	[dreg:$0x0] =	wrdreg $0x60  }
0xaf: {  	[dreg:$0x2] =	wrdreg s24  }
0xb0: {  	[dreg:$0x3] =	wrdreg s2  }
0xb1: {  	[dreg:$0x4] =	wrdreg s18  }
0xb2: {  	[dreg:$0x5] =	wrdreg $0x9  }
0xb3: {  	_ =	task.clear_ibuf [dreg:s8], $0x6FFFF;
	_ =	strace $0x90000046  }
0xb4: {  	s29 =	simm.s32 $0x9;
	_ =	strace $0x80000048  }
0xb5: {  	_ =	swait.ge [sflag:s29], $0x1  }
0xb6: {  	[sflag:s29] =	ssyncadd.s32 $0xFFFFFFFF  }
0xb7: {  	_ =	strace $0x90000048  }
0xb8: {  	_ =	sfence  }
0xb9: {  	s30 =	sld [smem:$0x0];
	_ =	sdelay $0x2  }
0xba: {  	s31 =	sshll.u32 s1, $0xD;
	s1 =	sshrl.u32 s1, $0x2  }
0xbb: {  	s3 =	sand.u32 $0x4000, s31;
	s1 =	sadd.s32 s1, s30  }
0xbc: {  	s0 =	sor.u32 s3, s0;
	s1 =	sshll.u32 s1, $0x11  }
0xbd: {  	s0 =	sor.u32 s1, s0  }
0xbe: {  	s0 =	sadd.s32 $0x8F2B, s0  }
0xbf: {  	[sflag:s0] =	ssyncadd.remote.s32 $0x1  }
0xc0: {  	_ =	sfence.sel $0xFFFF  }
0xc1: {  	[dreg:$0x0] =	wrdreg $0xFFFFFFFF;
	(pc) =	sbr.abs _section_cstart, $3  }
0xc2: {  	[dreg:$0x1] =	wrdreg $0xFFFFFFFF  }
0xc3: {  	_ =	task.clear_ibuf [dreg:s8], $0x2FFFF;
	_ =	strace $0x9FFFFFFF  }
0xc4: {  	(tm) =	ssettm $0x7FFFFFFF  }
0xc5: {  	_ =	shalt  }
tec
execute0_lowered:
.L_overlay_start_1:
0x0: {  	(tag) =	ssettag $0x1  }
0x1: {  	s4 =	rddreg [dreg:$0x0]  }
0x2: {  	s0 =	srdreg.scid;
	s2 =	rddreg [dreg:$0x1]  }
0x3: {  	s8 =	stileid.u32;
	s9 =	rddreg [dreg:$0x2]  }
0x4: {  	s3 =	simm.s32 $0x0;
	s13 =	simm.s32 $0x9;
	s14 =	simm.s32 $0x80  }
0x5: {  	s15 =	simm.s32 $0x6400;
	s16 =	simm.s32 $0xA400;
	s18 =	simm.s32 $0xE400  }
0x6: {  	s19 =	simm.s32 $0x1;
	s21 =	simm.s32 $0x12400;
	s22 =	simm.s32 $0x2  }
0x7: {  	s23 =	simm.s32 $0x5;
	s24 =	simm.s32 $0x3;
	s25 =	simm.s32 $0x6  }
0x8: {  	s0 =	sand.u32 $0x1, s0;
	s1 =	sshll.u32 s8, $0x1;
	s8 =	smul.u32 $0x190, s8  }
0x9: {  	s1 =	sor.u32 s0, s1;
	s7 =	ssub.s32 $0x2, s0;
	s0 =	smul.u32 $0xC8, s0  }
0xa: {  	s26 =	simm.s32 $0x4;
	s28 =	simm.s32 $0x7;
	s5 =	smul.u32 $0xC80, s1  }
0xb: {  	s29 =	simm.s32 $0x8;
	s30 =	simm.s32 $0x0;
	s6 =	smul.u32 $0x64000, s1  }
0xc: {  	[smem:$0x7FF] =	sst s3;
	s1 =	smul.u32 $0x320000, s1;
	s31 =	sshrl.u32 s7, $0x1  }
0xd: {  	_ =	strace $0x80000047;
	s10 =	ssub.s32 s7, s31;
	s0 =	sadd.s32 s0, s8  }
0xe: {  	s4 =	sadd.s32 s5, s4;
	s5 =	sadd.s32 s9, s6;
	s1 =	sshrl.u32 s1, $0x3  }
0xf: {  	s0 =	sshll.u32 s0, $0xB;
	s4 =	sadd.s32 $0x400, s4;
	s6 =	sadd.s32 $0x800, s5  }
0x10: {  	s1 =	sadd.s32 s9, s1;
	s0 =	sadd.s32 s0, s9;
	s9 =	smax.u32 s10, $0x1  }
0x11: {  	[dreg:$0x4] =	wrdreg s4;
	s7 =	sadd.s32 $0x63000, s1;
	s8 =	sadd.s32 $0x63800, s1  }
0x12: {  	s10 =	sadd.s32 $0x1800, s0;
	s11 =	sadd.s32 $0x1000, s0;
	s12 =	sadd.s32 $0x2000, s0  }
.LBB2_1:
0x13: {  	s0 =	rddreg [dreg:$0x4]  }
0x14: {  	[tilespmem:s3], [sflag:$0x9] =	stream.linear.gather [hbm4b:s0+s3], $0x6400, $0x38;
	[tilespmem:$0x16400] =	vst v63  }
0x15: {  	_ =	swait.ge [sflag:s13], $0x6400  }
0x16: {  	[sflag:s13] =	ssyncset.done $0x0  }
0x17: {  	[sflag:s13] =	ssyncadd.s32 $0xFFFF9C00  }
0x18: {  	[tilespmem:s15], [sflag:$0x1] =	stream.indirect.gather [hbm4b:s2+s14], $0x80, s3, s14, $0xb8;
	[tilespmem:$0x16400] =	vst v63  }
0x19: {  	_ = 	snop  }
0x1a: {  	[tilespmem:s16], [sflag:$0x2] =	stream.indirect.gather [hbm4b:s2+s14], $0x80, s14, s14, $0xb8;
	[tilespmem:$0x16400] =	vst v63  }
0x1b: {  	s17 =	simm.s32 $0x100  }
0x1c: {  	[tilespmem:s18], [sflag:$0x3] =	stream.indirect.gather [hbm4b:s2+s14], $0x80, s17, s14, $0xb8;
	[tilespmem:$0x16400] =	vst v63  }
0x1d: {  	_ =	swait.ge [sflag:s19], $0x4000  }
0x1e: {  	[sflag:s19] =	ssyncset.done $0x0  }
0x1f: {  	[sflag:s19] =	ssyncadd.s32 $0xFFFFC000  }
0x20: {  	[hbm4b:s5+s3] =	stream.linear.scatter [tilespmem:s15], [sflag:$0x5], $0x4000, $0x38;
	[tilespmem:$0x16400] =	vst v63  }
0x21: {  	s20 =	simm.s32 $0x180  }
0x22: {  	[tilespmem:s21], [sflag:$0x4] =	stream.indirect.gather [hbm4b:s2+s14], $0x80, s20, s14, $0xb8;
	[tilespmem:$0x16400] =	vst v63  }
0x23: {  	_ =	swait.ge [sflag:s22], $0x4000  }
0x24: {  	[sflag:s22] =	ssyncset.done $0x0  }
0x25: {  	[sflag:s22] =	ssyncadd.s32 $0xFFFFC000  }
0x26: {  	[hbm4b:s6+s3] =	stream.linear.scatter [tilespmem:s16], [sflag:$0x6], $0x4000, $0x38;
	[tilespmem:$0x16400] =	vst v63  }
0x27: {  	_ =	swait.ge [sflag:s23], $0x4000  }
0x28: {  	[sflag:s23] =	ssyncset.done $0x0  }
0x29: {  	s1 =	simm.s32 $0x200;
	[sflag:s23] =	ssyncadd.s32 $0xFFFFC000  }
0x2a: {  	[tilespmem:s15], [sflag:$0x1] =	stream.indirect.gather [hbm4b:s2+s14], $0x80, s1, s14, $0xb8;
	[tilespmem:$0x16400] =	vst v63  }
0x2b: {  	_ =	swait.ge [sflag:s24], $0x4000  }
0x2c: {  	[sflag:s24] =	ssyncset.done $0x0  }
0x2d: {  	[sflag:s24] =	ssyncadd.s32 $0xFFFFC000  }
0x2e: {  	[hbm4b:s11+s3] =	stream.linear.scatter [tilespmem:s18], [sflag:$0x7], $0x4000, $0x38;
	[tilespmem:$0x16400] =	vst v63  }
0x2f: {  	_ =	swait.ge [sflag:s25], $0x4000  }
0x30: {  	[sflag:s25] =	ssyncset.done $0x0  }
0x31: {  	s4 =	simm.s32 $0x280;
	[sflag:s25] =	ssyncadd.s32 $0xFFFFC000  }
0x32: {  	[tilespmem:s16], [sflag:$0x2] =	stream.indirect.gather [hbm4b:s2+s14], $0x80, s4, s14, $0xb8;
	[tilespmem:$0x16400] =	vst v63  }
0x33: {  	_ =	swait.ge [sflag:s26], $0x4000  }
0x34: {  	[sflag:s26] =	ssyncset.done $0x0  }
0x35: {  	[sflag:s26] =	ssyncadd.s32 $0xFFFFC000  }
0x36: {  	[hbm4b:s10+s3] =	stream.linear.scatter [tilespmem:s21], [sflag:$0x8], $0x4000, $0x38;
	[tilespmem:$0x16400] =	vst v63  }
0x37: {  	_ =	swait.ge [sflag:s28], $0x4000  }
0x38: {  	[sflag:s28] =	ssyncset.done $0x0  }
0x39: {  	s17 =	simm.s32 $0x300;
	[sflag:s28] =	ssyncadd.s32 $0xFFFFC000  }
0x3a: {  	[tilespmem:s18], [sflag:$0x3] =	stream.indirect.gather [hbm4b:s2+s14], $0x80, s17, s14, $0xb8;
	[tilespmem:$0x16400] =	vst v63  }
0x3b: {  	_ =	swait.ge [sflag:s19], $0x4000  }
0x3c: {  	[sflag:s19] =	ssyncset.done $0x0  }
0x3d: {  	[sflag:s19] =	ssyncadd.s32 $0xFFFFC000  }
0x3e: {  	[hbm4b:s12+s3] =	stream.linear.scatter [tilespmem:s15], [sflag:$0x5], $0x4000, $0x38;
	[tilespmem:$0x16400] =	vst v63  }
0x3f: {  	_ =	swait.ge [sflag:s29], $0x4000  }
0x40: {  	[sflag:s29] =	ssyncset.done $0x0  }
0x41: {  	s20 =	simm.s32 $0x380;
	[sflag:s29] =	ssyncadd.s32 $0xFFFFC000  }
0x42: {  	[tilespmem:s21], [sflag:$0x4] =	stream.indirect.gather [hbm4b:s2+s14], $0x80, s20, s14, $0xb8;
	[tilespmem:$0x16400] =	vst v63  }
0x43: {  	s31 =	simm.s32 $0x800;
	_ =	swait.ge [sflag:s22], $0x4000  }
0x44: {  	s0 =	sadd.s32 $0x2000, s12;
	s1 =	sadd.s32 $0x2000, s11;
	[sflag:s22] =	ssyncset.done $0x0  }
0x45: {  	s17 =	sadd.s32 $0x2000, s10;
	s20 =	sadd.s32 $0x1000, s10;
	[sflag:s22] =	ssyncadd.s32 $0xFFFFC000  }
.LBB2_2:
0x46: {  	[hbm4b:s20+s3] =	stream.linear.scatter [tilespmem:s16], [sflag:$0x6], $0x4000, $0x38;
	[tilespmem:$0x16400] =	vst v63  }
0x47: {  	s20 =	smov.u32 s31  }
0x48: {  	p0 =	sne.s32 s31, $0x18000;
	s31 =	sadd.s32 $0x800, s31;
	_ =	swait.ge [sflag:s23], $0x4000  }
0x49: {  	s20 =	sshra.s32 s20, $0x2;
	[sflag:s23] =	ssyncset.done $0x0  }
0x4a: {  	s4 =	sadd.s32 $0x200, s20;
	[sflag:s23] =	ssyncadd.s32 $0xFFFFC000  }
0x4b: {  	[tilespmem:s15], [sflag:$0x1] =	stream.indirect.gather [hbm4b:s2+s14], $0x80, s4, s14, $0xb8;
	[tilespmem:$0x16400] =	vst v63  }
0x4c: {  	_ =	swait.ge [sflag:s24], $0x4000  }
0x4d: {  	[sflag:s24] =	ssyncset.done $0x0  }
0x4e: {  	[sflag:s24] =	ssyncadd.s32 $0xFFFFC000  }
0x4f: {  	[hbm4b:s1+s3] =	stream.linear.scatter [tilespmem:s18], [sflag:$0x7], $0x4000, $0x38;
	[tilespmem:$0x16400] =	vst v63  }
0x50: {  	_ =	swait.ge [sflag:s25], $0x4000  }
0x51: {  	[sflag:s25] =	ssyncset.done $0x0  }
0x52: {  	s4 =	sadd.s32 $0x280, s20;
	[sflag:s25] =	ssyncadd.s32 $0xFFFFC000  }
0x53: {  	[tilespmem:s16], [sflag:$0x2] =	stream.indirect.gather [hbm4b:s2+s14], $0x80, s4, s14, $0xb8;
	[tilespmem:$0x16400] =	vst v63  }
0x54: {  	_ =	swait.ge [sflag:s26], $0x4000  }
0x55: {  	[sflag:s26] =	ssyncset.done $0x0  }
0x56: {  	[sflag:s26] =	ssyncadd.s32 $0xFFFFC000  }
0x57: {  	[hbm4b:s17+s3] =	stream.linear.scatter [tilespmem:s21], [sflag:$0x8], $0x4000, $0x38;
	[tilespmem:$0x16400] =	vst v63  }
0x58: {  	_ =	swait.ge [sflag:s28], $0x4000  }
0x59: {  	[sflag:s28] =	ssyncset.done $0x0  }
0x5a: {  	s4 =	sadd.s32 $0x300, s20;
	[sflag:s28] =	ssyncadd.s32 $0xFFFFC000  }
0x5b: {  	[tilespmem:s18], [sflag:$0x3] =	stream.indirect.gather [hbm4b:s2+s14], $0x80, s4, s14, $0xb8;
	[tilespmem:$0x16400] =	vst v63  }
0x5c: {  	_ =	swait.ge [sflag:s19], $0x4000  }
0x5d: {  	[sflag:s19] =	ssyncset.done $0x0  }
0x5e: {  	[sflag:s19] =	ssyncadd.s32 $0xFFFFC000  }
0x5f: {  	[hbm4b:s0+s3] =	stream.linear.scatter [tilespmem:s15], [sflag:$0x5], $0x4000, $0x38;
	[tilespmem:$0x16400] =	vst v63  }
0x60: {  	_ =	swait.ge [sflag:s29], $0x4000  }
0x61: {  	[sflag:s29] =	ssyncset.done $0x0  }
.Ltmp0:
0x62: {  	s4 =	sadd.s32 $0x380, s20;
	[sflag:s29] =	ssyncadd.s32 $0xFFFFC000;
	(pc) =	sbr.rel @p0 .LBB2_2-.Ltmp0, $4  }
0x63: {  	[tilespmem:s21], [sflag:$0x4] =	stream.indirect.gather [hbm4b:s2+s14], $0x80, s4, s14, $0xb8;
	[tilespmem:$0x16400] =	vst v63  }
0x64: {  	_ =	swait.ge [sflag:s22], $0x4000  }
0x65: {  	s1 =	sadd.s32 $0x2000, s1;
	s0 =	sadd.s32 $0x2000, s0;
	[sflag:s22] =	ssyncset.done $0x0  }
0x66: {  	s20 =	sadd.s32 $0x1000, s17;
	s17 =	sadd.s32 $0x2000, s17;
	[sflag:s22] =	ssyncadd.s32 $0xFFFFC000  }
0x67: {  	[hbm4b:s20+s3] =	stream.linear.scatter [tilespmem:s16], [sflag:$0x6], $0x4000, $0x38;
	[tilespmem:$0x16400] =	vst v63  }
0x68: {  	_ =	swait.ge [sflag:s23], $0x4000  }
0x69: {  	[sflag:s23] =	ssyncset.done $0x0  }
0x6a: {  	[sflag:s23] =	ssyncadd.s32 $0xFFFFC000  }
0x6b: {  	_ =	swait.ge [sflag:s24], $0x4000  }
0x6c: {  	[sflag:s24] =	ssyncset.done $0x0  }
0x6d: {  	[sflag:s24] =	ssyncadd.s32 $0xFFFFC000  }
0x6e: {  	[hbm4b:s7+s3] =	stream.linear.scatter [tilespmem:s18], [sflag:$0x7], $0x4000, $0x38;
	[tilespmem:$0x16400] =	vst v63  }
0x6f: {  	_ =	swait.ge [sflag:s25], $0x4000  }
0x70: {  	[sflag:s25] =	ssyncset.done $0x0  }
0x71: {  	[sflag:s25] =	ssyncadd.s32 $0xFFFFC000  }
0x72: {  	_ =	swait.ge [sflag:s26], $0x4000  }
0x73: {  	[sflag:s26] =	ssyncset.done $0x0  }
0x74: {  	s30 =	sadd.s32 $0x1, s30;
	[sflag:s26] =	ssyncadd.s32 $0xFFFFC000  }
0x75: {  	[hbm4b:s8+s3] =	stream.linear.scatter [tilespmem:s21], [sflag:$0x8], $0x4000, $0x38;
	[tilespmem:$0x16400] =	vst v63  }
0x76: {  	p0 =	sne.s32 s30, s9;
	_ =	swait.ge [sflag:s28], $0x4000  }
.Ltmp1:
0x77: {  	[sflag:s28] =	ssyncset.done $0x0;
	(pc) =	sbr.rel @p0 .LBB2_1-.Ltmp1, $4  }
0x78: {  	[sflag:s28] =	ssyncadd.s32 $0xFFFFC000  }
0x79: {  	_ =	swait.ge [sflag:s29], $0x4000  }
0x7a: {  	[sflag:s29] =	ssyncset.done $0x0  }
0x7b: {  	[sflag:s29] =	ssyncadd.s32 $0xFFFFC000  }
0x7c: {  	_ =	sfence.sel $0x180000  }
0x7d: {  	[bflag:$0x0] =	sbarrier.arrive $0xFFFF  }
0x7e: {  	_ =	strace $0x90000047  }
0x7f: {  	s0 =	stileid.u32;
	[bflag:$0x2] =	sbarrier.arrive $0xFFFF  }
0x80: {  	p0 =	sne.s32 s0, $0x0;
	s0 =	rddreg [dreg:$0x3]  }
0x81: {  	s0 =	sadd.s32 @!p0 $0x100000, s0  }
0x82: {  	[sflag:s0] =	ssyncadd.tile.s32 @!p0 $0x1;
	_ =	shalt  }
.Lfunc_end2:
_tile_overlayer_lowered:
.L_overlay_start_2:
0x83: {  	(tag) =	ssettag $0x2  }
0x84: {  	s0 =	rddreg [dreg:$0x0];
	s2 =	stileid.u32  }
0x85: {  	s1 =	rddreg [dreg:$0x1];
	p0 =	sne.s32 s2, $0x0  }
0x86: {  	s3 =	rddreg [dreg:$0x2];
	[bflag:$0x3] =	sbarrier.arrive $0xFFFF;
	s2 =	simm.s32 @!p0 $0x1C09  }
0x87: {  	[timem:s3], [sflag:s2] =	dma.local @!p0 [hbm:s0], s1  }
0x88: {  	s0 =	simm.s32 @!p0 $0x9  }
0x89: {  	_ =	swait.ge @!p0 [sflag:s0], s1  }
0x8a: {  	s1 =	ssub.s32 @!p0 $0x0, s1;
	[sflag:s0] =	ssyncset.done @!p0 $0x0  }
0x8b: {  	[sflag:s0] =	ssyncadd.s32 @!p0 s1  }
0x8c: {  	[bflag:$0x3] =	sbarrier.arrive $0xFFFF  }
0x8d: {  	_ =	shalt  }

</sc_bundles>
